<compile_context>
chip_gen: v7x
topology: tpu7x:2x2x1
jax: 0.10.2.dev20260603
libtpu: 0.0.44.dev20260713+nightly
codegen_flags: <defaults>
</compile_context>

<pallas_src>
import jax
import jax.numpy as jnp
from jax import lax
from jax.experimental import pallas as pl
from jax.experimental.pallas import tpu as pltpu
from jax.experimental.pallas import tpu_sc as plsc

NUM_ROWS = 1000000
N_FACTORS = 32
BATCH = 16384
PACK = 128 // N_FACTORS
TBLK = 16384
NBLK = (NUM_ROWS + TBLK - 1) // TBLK
SUB = TBLK // PACK
NLINES = NBLK * SUB

_info = plsc.get_sparse_core_info()
NC, NS, L = _info.num_cores, _info.num_subcores, _info.num_lanes
NW = NC * NS
BPW = BATCH // NW
CHUNK = 128
HALF = 256


def _pack_body(u_ref, v_ref, wo_ref):
    row = lax.broadcasted_iota(jnp.int32, (N_FACTORS, N_FACTORS), 0)
    col = lax.broadcasted_iota(jnp.int32, (N_FACTORS, N_FACTORS), 1)
    ident = jnp.where(row == col, 1.0, 0.0).astype(jnp.float32)
    dn = (((0,), (0,)), ((), ()))
    u = u_ref[...]
    v = v_ref[...]
    for a in range(PACK):
        us = lax.slice(u, (0, a * SUB), (N_FACTORS, (a + 1) * SUB))
        vs = lax.slice(v, (0, a * SUB), (N_FACTORS, (a + 1) * SUB))
        ut = lax.dot_general(us, ident, dn, preferred_element_type=jnp.float32)
        vt = lax.dot_general(vs, ident, dn, preferred_element_type=jnp.float32)
        ui = lax.convert_element_type(
            lax.bitcast_convert_type(
                lax.convert_element_type(ut, jnp.bfloat16), jnp.uint16),
            jnp.uint32)
        vi = lax.convert_element_type(
            lax.bitcast_convert_type(
                lax.convert_element_type(vt, jnp.bfloat16), jnp.uint16),
            jnp.uint32)
        w = ui | (vi << 16)
        wo_ref[:, a * N_FACTORS:(a + 1) * N_FACTORS] = (
            lax.bitcast_convert_type(w, jnp.float32))


def _relayout_pack(uf_t, if_t):
    ispec = pl.BlockSpec((N_FACTORS, TBLK), lambda i: (0, i))
    ospec = pl.BlockSpec((SUB, PACK * N_FACTORS), lambda i: (i, 0))
    oshape = jax.ShapeDtypeStruct((NLINES, PACK * N_FACTORS), jnp.float32)
    return pl.pallas_call(
        _pack_body,
        grid=(NBLK,),
        in_specs=[ispec, ispec],
        out_specs=ospec,
        out_shape=oshape,
    )(uf_t, if_t)


def _mf_body(w_hbm, users_hbm, items_hbm, out_hbm,
             uidx_v, iidx_v, ulns_v, ilns_v, urow_v, irow_v, out_v, sem):
    wid = lax.axis_index("s") * NC + lax.axis_index("c")
    base = wid * BPW

    pltpu.sync_copy(users_hbm.at[pl.ds(base, BPW)], uidx_v)
    pltpu.sync_copy(items_hbm.at[pl.ds(base, BPW)], iidx_v)

    def line_body(j, _):
        sl = pl.ds(j * L, L)
        u = uidx_v[sl]
        v = iidx_v[sl]
        ulns_v[sl] = (u >> 14) * SUB + (u & (SUB - 1))
        ilns_v[sl] = (v >> 14) * SUB + (v & (SUB - 1))
        return 0
    lax.fori_loop(0, BPW // L, line_body, 0)

    lane = lax.iota(jnp.int32, L)
    himask = jnp.full((L,), -65536, jnp.int32)

    def half_body(h, _):
        hbase = h * HALF
        copies = []
        for k in range(HALF // CHUNK):
            src = pl.ds(hbase + k * CHUNK, CHUNK)
            dst = pl.ds(k * CHUNK, CHUNK)
            copies.append(pltpu.async_copy(w_hbm.at[ulns_v.at[src]],
                                           urow_v.at[dst], sem))
            copies.append(pltpu.async_copy(w_hbm.at[ilns_v.at[src]],
                                           irow_v.at[dst], sem))
        for c in copies:
            c.wait()

        def group_body(g, _):
            rows = g * L + lane
            ucol = ((uidx_v[pl.ds(hbase + g * L, L)] >> 12) & 3) * N_FACTORS
            icol = ((iidx_v[pl.ds(hbase + g * L, L)] >> 12) & 3) * N_FACTORS
            acc = jnp.zeros((L,), jnp.float32)
            for d in range(N_FACTORS):
                wu = plsc.bitcast(
                    plsc.load_gather(urow_v, [rows, ucol + d]), jnp.int32)
                wi = plsc.bitcast(
                    plsc.load_gather(irow_v, [rows, icol + d]), jnp.int32)
                uu = plsc.bitcast(wu << 16, jnp.float32)
                vv = plsc.bitcast(wi & himask, jnp.float32)
                acc = acc + uu * vv
            out_v[pl.ds(hbase + g * L, L)] = acc
            return 0

        lax.fori_loop(0, HALF // L, group_body, 0)
        return 0

    lax.fori_loop(0, BPW // HALF, half_body, 0)

    pltpu.sync_copy(out_v, out_hbm.at[pl.ds(base, BPW)])


@jax.jit
def kernel(user_factors, item_factors, users, items):
    users = users.astype(jnp.int32)
    items = items.astype(jnp.int32)
    w_packed = _relayout_pack(user_factors.T, item_factors.T)
    mesh = plsc.VectorSubcoreMesh(core_axis_name="c", subcore_axis_name="s")
    run = pl.kernel(
        _mf_body,
        out_type=jax.ShapeDtypeStruct((BATCH,), jnp.float32),
        mesh=mesh,
        scratch_types=[
            pltpu.VMEM((BPW,), jnp.int32),
            pltpu.VMEM((BPW,), jnp.int32),
            pltpu.VMEM((BPW,), jnp.int32),
            pltpu.VMEM((BPW,), jnp.int32),
            pltpu.VMEM((HALF, PACK * N_FACTORS), jnp.float32),
            pltpu.VMEM((HALF, PACK * N_FACTORS), jnp.float32),
            pltpu.VMEM((BPW,), jnp.float32),
            pltpu.SemaphoreType.DMA,
        ],
        compiler_params=pltpu.CompilerParams(
            needs_layout_passes=False, use_tc_tiling_on_sc=False),
    )
    return run(w_packed, users, items)

# --- scband reference (transcript-rebuilt; emitter-appended) ---
"""Pipeline reference for scband-matrix-factorization-baseline-5145370821055 (READ-ONLY COPY).

The authoritative reference and input builder live on the scoring server;
editing this copy changes nothing except your own understanding.
"""

import jax, jax.numpy as jnp
import numpy as np

NUM_USERS = 1000000
NUM_ITEMS = 1000000
N_FACTORS = 32
BATCH = 16384


def setup_inputs(seed: int = 0) -> dict:
    key = jax.random.key(seed)
    k1, k2, k3, k4 = jax.random.split(key, 4)
    user_factors = jax.random.normal(k1, (NUM_USERS, N_FACTORS), dtype=jnp.float32) * 0.1
    item_factors = jax.random.normal(k2, (NUM_ITEMS, N_FACTORS), dtype=jnp.float32) * 0.1
    users = jax.random.randint(k3, (BATCH,), 0, NUM_USERS, dtype=jnp.int64 if jax.config.jax_enable_x64 else jnp.int32)
    items = jax.random.randint(k4, (BATCH,), 0, NUM_ITEMS, dtype=jnp.int64 if jax.config.jax_enable_x64 else jnp.int32)
    return {"user_factors": user_factors, "item_factors": item_factors, "users": users, "items": items}


def reference(user_factors, item_factors, users, items):
    # MatrixFactorizationBaseline.forward:
    #   (self.user_factors[users] * self.item_factors[items]).sum(dim=-1)
    u = jnp.take(user_factors, users, axis=0)
    v = jnp.take(item_factors, items, axis=0)
    return (u * v).sum(axis=-1)

if __name__ == "__main__":
    import jax
    _d = setup_inputs()
    print(jax.jit(kernel)(*tuple(_d.values())))

</pallas_src>

<mosaic_0001>
#map = affine_map<(d0, d1) -> (0, 0)>
#map1 = affine_map<(d0, d1) -> (0)>
module attributes {stable_mosaic.version = 14 : i64} {
  func.func @_mf_body(%arg0: i32, %arg1: i32, %arg2: memref<253952x128xf32, #tpu.memory_space<hbm>>, %arg3: memref<16384xi32, #tpu.memory_space<hbm>>, %arg4: memref<16384xi32, #tpu.memory_space<hbm>>, %arg5: memref<16384xf32, #tpu.memory_space<hbm>>, %arg6: memref<512xi32, #tpu.memory_space<vmem>>, %arg7: memref<512xi32, #tpu.memory_space<vmem>>, %arg8: memref<512xi32, #tpu.memory_space<vmem>>, %arg9: memref<512xi32, #tpu.memory_space<vmem>>, %arg10: memref<256x128xf32, #tpu.memory_space<vmem>>, %arg11: memref<256x128xf32, #tpu.memory_space<vmem>>, %arg12: memref<512xf32, #tpu.memory_space<vmem>>, %arg13: memref<!tpu.dma_semaphore, #tpu.memory_space<semaphore_mem>>) attributes {dimension_semantics = [#tpu.dimension_semantics<core_parallel>, #tpu.dimension_semantics<subcore_parallel>], iteration_bounds = array<i64: 2, 16>, scalar_prefetch = 0 : i64, scratch_operands = 8 : i64, tpu.core_type = #tpu.core_type<sc_vector_subcore>, window_params = [{transform_indices = #map}, {transform_indices = #map1}, {transform_indices = #map1}, {transform_indices = #map1}]} {
    %mul3A = arith.constant 2 : i32
    %mul3A_0 = arith.muli %arg1, %mul3A : i32
    %add3A = arith.addi %mul3A_0, %arg0 : i32
    %mul3A_1 = arith.constant 512 : i32
    %mul3A_2 = arith.muli %add3A, %mul3A_1 : i32
    "tpu.region"() ({
      %run_scoped3A = tpu.sem_alloc : memref<!tpu.dma_semaphore, #tpu.memory_space<semaphore_mem>>
      %dma_start3A = tpu.memref_slice %arg3[%mul3A_2] : memref<16384xi32, #tpu.memory_space<hbm>> -> memref<512xi32, #tpu.memory_space<hbm>>
      %dma_start3A_17 = tpu.memref_slice %arg3[%mul3A_2] : memref<16384xi32, #tpu.memory_space<hbm>> -> memref<512xi32, #tpu.memory_space<hbm>>
      tpu.enqueue_dma source(%dma_start3A_17 : memref<512xi32, #tpu.memory_space<hbm>>) target(%arg6 : memref<512xi32, #tpu.memory_space<vmem>>) target_semaphore(%run_scoped3A : memref<!tpu.dma_semaphore, #tpu.memory_space<semaphore_mem>>)
      %dma_wait3A = tpu.memref_slice %arg3[%mul3A_2] : memref<16384xi32, #tpu.memory_space<hbm>> -> memref<512xi32, #tpu.memory_space<hbm>>
      %dma_wait3A_18 = tpu.memref_slice %arg3[%mul3A_2] : memref<16384xi32, #tpu.memory_space<hbm>> -> memref<512xi32, #tpu.memory_space<hbm>>
      tpu.wait_dma2 semaphore(%run_scoped3A : memref<!tpu.dma_semaphore, #tpu.memory_space<semaphore_mem>>) src(%dma_wait3A_18 : memref<512xi32, #tpu.memory_space<hbm>>) dst(%arg6 : memref<512xi32, #tpu.memory_space<vmem>>)
      tpu.yield
    }) : () -> ()
    "tpu.region"() ({
      %run_scoped3A = tpu.sem_alloc : memref<!tpu.dma_semaphore, #tpu.memory_space<semaphore_mem>>
      %dma_start3A = tpu.memref_slice %arg4[%mul3A_2] : memref<16384xi32, #tpu.memory_space<hbm>> -> memref<512xi32, #tpu.memory_space<hbm>>
      %dma_start3A_17 = tpu.memref_slice %arg4[%mul3A_2] : memref<16384xi32, #tpu.memory_space<hbm>> -> memref<512xi32, #tpu.memory_space<hbm>>
      tpu.enqueue_dma source(%dma_start3A_17 : memref<512xi32, #tpu.memory_space<hbm>>) target(%arg7 : memref<512xi32, #tpu.memory_space<vmem>>) target_semaphore(%run_scoped3A : memref<!tpu.dma_semaphore, #tpu.memory_space<semaphore_mem>>)
      %dma_wait3A = tpu.memref_slice %arg4[%mul3A_2] : memref<16384xi32, #tpu.memory_space<hbm>> -> memref<512xi32, #tpu.memory_space<hbm>>
      %dma_wait3A_18 = tpu.memref_slice %arg4[%mul3A_2] : memref<16384xi32, #tpu.memory_space<hbm>> -> memref<512xi32, #tpu.memory_space<hbm>>
      tpu.wait_dma2 semaphore(%run_scoped3A : memref<!tpu.dma_semaphore, #tpu.memory_space<semaphore_mem>>) src(%dma_wait3A_18 : memref<512xi32, #tpu.memory_space<hbm>>) dst(%arg7 : memref<512xi32, #tpu.memory_space<vmem>>)
      tpu.yield
    }) : () -> ()
    %scan3A = arith.constant 0 : i32
    %scan3A_3 = arith.constant 0 : i32
    %scan3A_4 = arith.constant 32 : i32
    %scan3A_5 = arith.addi %scan3A_3, %scan3A_4 : i32
    %scan3A_6 = arith.constant 1 : i32
    %scan3A_7 = scf.for %scan3A_17 = %scan3A_3 to %scan3A_5 step %scan3A_6 iter_args(%scan3A_18 = %scan3A) -> (i32)  : i32 {
      %mul3A_19 = arith.constant 16 : i32
      %mul3A_20 = arith.muli %scan3A_17, %mul3A_19 : i32
      %get3A = arith.index_cast %mul3A_20 : i32 to index
      %get3A_21 = tpu.vector_load %arg6[%get3A] {strides = array<i32>} : memref<512xi32, #tpu.memory_space<vmem>>, vector<16xi32>,
      %get3A_22 = arith.index_cast %mul3A_20 : i32 to index
      %get3A_23 = tpu.vector_load %arg7[%get3A_22] {strides = array<i32>} : memref<512xi32, #tpu.memory_space<vmem>>, vector<16xi32>,
      %shift_right_arithmetic3A = arith.constant 14 : i32
      %shift_right_arithmetic3A_24 = vector.broadcast %shift_right_arithmetic3A : i32 to vector<16xi32>
      %shift_right_arithmetic3A_25 = arith.shrsi %get3A_21, %shift_right_arithmetic3A_24 : vector<16xi32>
      %mul3A_26 = arith.constant 4096 : i32
      %mul3A_27 = vector.broadcast %mul3A_26 : i32 to vector<16xi32>
      %mul3A_28 = arith.muli %shift_right_arithmetic3A_25, %mul3A_27 : vector<16xi32>
      %and3A = arith.constant 4095 : i32
      %and3A_29 = vector.broadcast %and3A : i32 to vector<16xi32>
      %and3A_30 = arith.andi %get3A_21, %and3A_29 : vector<16xi32>
      %add3A_31 = arith.addi %mul3A_28, %and3A_30 : vector<16xi32>
      %swap3A = arith.index_cast %mul3A_20 : i32 to index
      %swap3A_32 = tpu.vector_load %arg8[%swap3A] {strides = array<i32>} : memref<512xi32, #tpu.memory_space<vmem>>, vector<16xi32>,
      tpu.vector_store %arg8[%swap3A], %add3A_31 {strides = array<i32>} : memref<512xi32, #tpu.memory_space<vmem>>, vector<16xi32>,
      %shift_right_arithmetic3A_33 = arith.constant 14 : i32
      %shift_right_arithmetic3A_34 = vector.broadcast %shift_right_arithmetic3A_33 : i32 to vector<16xi32>
      %shift_right_arithmetic3A_35 = arith.shrsi %get3A_23, %shift_right_arithmetic3A_34 : vector<16xi32>
      %mul3A_36 = arith.constant 4096 : i32
      %mul3A_37 = vector.broadcast %mul3A_36 : i32 to vector<16xi32>
      %mul3A_38 = arith.muli %shift_right_arithmetic3A_35, %mul3A_37 : vector<16xi32>
      %and3A_39 = arith.constant 4095 : i32
      %and3A_40 = vector.broadcast %and3A_39 : i32 to vector<16xi32>
      %and3A_41 = arith.andi %get3A_23, %and3A_40 : vector<16xi32>
      %add3A_42 = arith.addi %mul3A_38, %and3A_41 : vector<16xi32>
      %swap3A_43 = arith.index_cast %mul3A_20 : i32 to index
      %swap3A_44 = tpu.vector_load %arg9[%swap3A_43] {strides = array<i32>} : memref<512xi32, #tpu.memory_space<vmem>>, vector<16xi32>,
      tpu.vector_store %arg9[%swap3A_43], %add3A_42 {strides = array<i32>} : memref<512xi32, #tpu.memory_space<vmem>>, vector<16xi32>,
      %scan3A_45 = arith.constant 0 : i32
      scf.yield %scan3A_45 : i32
    }
    %scan3A_8 = arith.constant 32 : i32
    %iota3A = tpu.iota {dimensions = array<i32: 0>} : vector<16xi32>
    %broadcast_in_dim3A = arith.constant -65536 : i32
    %broadcast_in_dim3A_9 = vector.broadcast %broadcast_in_dim3A : i32 to vector<16xi32>
    %scan3A_10 = arith.constant 0 : i32
    %scan3A_11 = arith.constant 0 : i32
    %scan3A_12 = arith.constant 2 : i32
    %scan3A_13 = arith.addi %scan3A_11, %scan3A_12 : i32
    %scan3A_14 = arith.constant 1 : i32
    %scan3A_15 = scf.for %scan3A_17 = %scan3A_11 to %scan3A_13 step %scan3A_14 iter_args(%scan3A_18 = %scan3A_10) -> (i32)  : i32 {
      %mul3A_19 = arith.constant 256 : i32
      %mul3A_20 = arith.muli %scan3A_17, %mul3A_19 : i32
      %add3A_21 = arith.constant 0 : i32
      %add3A_22 = arith.addi %mul3A_20, %add3A_21 : i32
      %dma_start3A = arith.constant 0 : i32
      %dma_start3A_23 = arith.constant 0 : i32
      %dma_start3A_24 = tpu.memref_slice %arg10[%dma_start3A, %dma_start3A_23] : memref<256x128xf32, #tpu.memory_space<vmem>> -> memref<128x128xf32, #tpu.memory_space<vmem>>
      %dma_start3A_25 = tpu.memref_slice %arg8[%add3A_22] : memref<512xi32, #tpu.memory_space<vmem>> -> memref<128xi32, #tpu.memory_space<vmem>>
      %dma_start3A_26 = arith.constant 0 : i32
      %dma_start3A_27 = arith.constant 0 : i32
      %dma_start3A_28 = tpu.memref_slice %arg2[%dma_start3A_26, %dma_start3A_27] : memref<253952x128xf32, #tpu.memory_space<hbm>> -> memref<253952x128xf32, #tpu.memory_space<hbm>>
      tpu.enqueue_indirect_dma source(%dma_start3A_28 : memref<253952x128xf32, #tpu.memory_space<hbm>>) target(%dma_start3A_24 : memref<128x128xf32, #tpu.memory_space<vmem>>) offsets(%dma_start3A_25 : memref<128xi32, #tpu.memory_space<vmem>>) semaphore(%arg13 : memref<!tpu.dma_semaphore, #tpu.memory_space<semaphore_mem>>)
      %dma_start3A_29 = arith.constant 0 : i32
      %dma_start3A_30 = arith.constant 0 : i32
      %dma_start3A_31 = tpu.memref_slice %arg11[%dma_start3A_29, %dma_start3A_30] : memref<256x128xf32, #tpu.memory_space<vmem>> -> memref<128x128xf32, #tpu.memory_space<vmem>>
      %dma_start3A_32 = tpu.memref_slice %arg9[%add3A_22] : memref<512xi32, #tpu.memory_space<vmem>> -> memref<128xi32, #tpu.memory_space<vmem>>
      %dma_start3A_33 = arith.constant 0 : i32
      %dma_start3A_34 = arith.constant 0 : i32
      %dma_start3A_35 = tpu.memref_slice %arg2[%dma_start3A_33, %dma_start3A_34] : memref<253952x128xf32, #tpu.memory_space<hbm>> -> memref<253952x128xf32, #tpu.memory_space<hbm>>
      tpu.enqueue_indirect_dma source(%dma_start3A_35 : memref<253952x128xf32, #tpu.memory_space<hbm>>) target(%dma_start3A_31 : memref<128x128xf32, #tpu.memory_space<vmem>>) offsets(%dma_start3A_32 : memref<128xi32, #tpu.memory_space<vmem>>) semaphore(%arg13 : memref<!tpu.dma_semaphore, #tpu.memory_space<semaphore_mem>>)
      %add3A_36 = arith.constant 128 : i32
      %add3A_37 = arith.addi %mul3A_20, %add3A_36 : i32
      %dma_start3A_38 = arith.constant 128 : i32
      %dma_start3A_39 = arith.constant 0 : i32
      %dma_start3A_40 = tpu.memref_slice %arg10[%dma_start3A_38, %dma_start3A_39] : memref<256x128xf32, #tpu.memory_space<vmem>> -> memref<128x128xf32, #tpu.memory_space<vmem>>
      %dma_start3A_41 = tpu.memref_slice %arg8[%add3A_37] : memref<512xi32, #tpu.memory_space<vmem>> -> memref<128xi32, #tpu.memory_space<vmem>>
      %dma_start3A_42 = arith.constant 0 : i32
      %dma_start3A_43 = arith.constant 0 : i32
      %dma_start3A_44 = tpu.memref_slice %arg2[%dma_start3A_42, %dma_start3A_43] : memref<253952x128xf32, #tpu.memory_space<hbm>> -> memref<253952x128xf32, #tpu.memory_space<hbm>>
      tpu.enqueue_indirect_dma source(%dma_start3A_44 : memref<253952x128xf32, #tpu.memory_space<hbm>>) target(%dma_start3A_40 : memref<128x128xf32, #tpu.memory_space<vmem>>) offsets(%dma_start3A_41 : memref<128xi32, #tpu.memory_space<vmem>>) semaphore(%arg13 : memref<!tpu.dma_semaphore, #tpu.memory_space<semaphore_mem>>)
      %dma_start3A_45 = arith.constant 128 : i32
      %dma_start3A_46 = arith.constant 0 : i32
      %dma_start3A_47 = tpu.memref_slice %arg11[%dma_start3A_45, %dma_start3A_46] : memref<256x128xf32, #tpu.memory_space<vmem>> -> memref<128x128xf32, #tpu.memory_space<vmem>>
      %dma_start3A_48 = tpu.memref_slice %arg9[%add3A_37] : memref<512xi32, #tpu.memory_space<vmem>> -> memref<128xi32, #tpu.memory_space<vmem>>
      %dma_start3A_49 = arith.constant 0 : i32
      %dma_start3A_50 = arith.constant 0 : i32
      %dma_start3A_51 = tpu.memref_slice %arg2[%dma_start3A_49, %dma_start3A_50] : memref<253952x128xf32, #tpu.memory_space<hbm>> -> memref<253952x128xf32, #tpu.memory_space<hbm>>
      tpu.enqueue_indirect_dma source(%dma_start3A_51 : memref<253952x128xf32, #tpu.memory_space<hbm>>) target(%dma_start3A_47 : memref<128x128xf32, #tpu.memory_space<vmem>>) offsets(%dma_start3A_48 : memref<128xi32, #tpu.memory_space<vmem>>) semaphore(%arg13 : memref<!tpu.dma_semaphore, #tpu.memory_space<semaphore_mem>>)
      %dma_wait3A = arith.constant 0 : i32
      %dma_wait3A_52 = arith.constant 0 : i32
      %dma_wait3A_53 = tpu.memref_slice %arg10[%dma_wait3A, %dma_wait3A_52] : memref<256x128xf32, #tpu.memory_space<vmem>> -> memref<128x128xf32, #tpu.memory_space<vmem>>
      %dma_wait3A_54 = tpu.memref_slice %arg8[%add3A_22] : memref<512xi32, #tpu.memory_space<vmem>> -> memref<128xi32, #tpu.memory_space<vmem>>
      %dma_wait3A_55 = arith.constant 0 : i32
      %dma_wait3A_56 = arith.constant 0 : i32
      %dma_wait3A_57 = tpu.memref_slice %arg2[%dma_wait3A_55, %dma_wait3A_56] : memref<253952x128xf32, #tpu.memory_space<hbm>> -> memref<253952x128xf32, #tpu.memory_space<hbm>>
      tpu.wait_indirect_dma semaphore(%arg13 : memref<!tpu.dma_semaphore, #tpu.memory_space<semaphore_mem>>) src(%dma_wait3A_57 : memref<253952x128xf32, #tpu.memory_space<hbm>>) dst(%dma_wait3A_53 : memref<128x128xf32, #tpu.memory_space<vmem>>)
      %dma_wait3A_58 = arith.constant 0 : i32
      %dma_wait3A_59 = arith.constant 0 : i32
      %dma_wait3A_60 = tpu.memref_slice %arg11[%dma_wait3A_58, %dma_wait3A_59] : memref<256x128xf32, #tpu.memory_space<vmem>> -> memref<128x128xf32, #tpu.memory_space<vmem>>
      %dma_wait3A_61 = tpu.memref_slice %arg9[%add3A_22] : memref<512xi32, #tpu.memory_space<vmem>> -> memref<128xi32, #tpu.memory_space<vmem>>
      %dma_wait3A_62 = arith.constant 0 : i32
      %dma_wait3A_63 = arith.constant 0 : i32
      %dma_wait3A_64 = tpu.memref_slice %arg2[%dma_wait3A_62, %dma_wait3A_63] : memref<253952x128xf32, #tpu.memory_space<hbm>> -> memref<253952x128xf32, #tpu.memory_space<hbm>>
      tpu.wait_indirect_dma semaphore(%arg13 : memref<!tpu.dma_semaphore, #tpu.memory_space<semaphore_mem>>) src(%dma_wait3A_64 : memref<253952x128xf32, #tpu.memory_space<hbm>>) dst(%dma_wait3A_60 : memref<128x128xf32, #tpu.memory_space<vmem>>)
      %dma_wait3A_65 = arith.constant 128 : i32
      %dma_wait3A_66 = arith.constant 0 : i32
      %dma_wait3A_67 = tpu.memref_slice %arg10[%dma_wait3A_65, %dma_wait3A_66] : memref<256x128xf32, #tpu.memory_space<vmem>> -> memref<128x128xf32, #tpu.memory_space<vmem>>
      %dma_wait3A_68 = tpu.memref_slice %arg8[%add3A_37] : memref<512xi32, #tpu.memory_space<vmem>> -> memref<128xi32, #tpu.memory_space<vmem>>
      %dma_wait3A_69 = arith.constant 0 : i32
      %dma_wait3A_70 = arith.constant 0 : i32
      %dma_wait3A_71 = tpu.memref_slice %arg2[%dma_wait3A_69, %dma_wait3A_70] : memref<253952x128xf32, #tpu.memory_space<hbm>> -> memref<253952x128xf32, #tpu.memory_space<hbm>>
      tpu.wait_indirect_dma semaphore(%arg13 : memref<!tpu.dma_semaphore, #tpu.memory_space<semaphore_mem>>) src(%dma_wait3A_71 : memref<253952x128xf32, #tpu.memory_space<hbm>>) dst(%dma_wait3A_67 : memref<128x128xf32, #tpu.memory_space<vmem>>)
      %dma_wait3A_72 = arith.constant 128 : i32
      %dma_wait3A_73 = arith.constant 0 : i32
      %dma_wait3A_74 = tpu.memref_slice %arg11[%dma_wait3A_72, %dma_wait3A_73] : memref<256x128xf32, #tpu.memory_space<vmem>> -> memref<128x128xf32, #tpu.memory_space<vmem>>
      %dma_wait3A_75 = tpu.memref_slice %arg9[%add3A_37] : memref<512xi32, #tpu.memory_space<vmem>> -> memref<128xi32, #tpu.memory_space<vmem>>
      %dma_wait3A_76 = arith.constant 0 : i32
      %dma_wait3A_77 = arith.constant 0 : i32
      %dma_wait3A_78 = tpu.memref_slice %arg2[%dma_wait3A_76, %dma_wait3A_77] : memref<253952x128xf32, #tpu.memory_space<hbm>> -> memref<253952x128xf32, #tpu.memory_space<hbm>>
      tpu.wait_indirect_dma semaphore(%arg13 : memref<!tpu.dma_semaphore, #tpu.memory_space<semaphore_mem>>) src(%dma_wait3A_78 : memref<253952x128xf32, #tpu.memory_space<hbm>>) dst(%dma_wait3A_74 : memref<128x128xf32, #tpu.memory_space<vmem>>)
      %scan3A_79 = arith.constant 0 : i32
      %scan3A_80 = arith.constant 0 : i32
      %scan3A_81 = arith.constant 16 : i32
      %scan3A_82 = arith.addi %scan3A_80, %scan3A_81 : i32
      %scan3A_83 = arith.constant 1 : i32
      %scan3A_84 = scf.for %scan3A_87 = %scan3A_80 to %scan3A_82 step %scan3A_83 iter_args(%scan3A_88 = %scan3A_79) -> (i32)  : i32 {
        %mul3A_89 = arith.constant 16 : i32
        %mul3A_90 = arith.muli %scan3A_87, %mul3A_89 : i32
        %add3A_91 = vector.broadcast %mul3A_90 : i32 to vector<16xi32>
        %add3A_92 = arith.addi %add3A_91, %iota3A : vector<16xi32>
        %mul3A_93 = arith.constant 16 : i32
        %mul3A_94 = arith.muli %scan3A_87, %mul3A_93 : i32
        %add3A_95 = arith.addi %mul3A_20, %mul3A_94 : i32
        %get3A = arith.index_cast %add3A_95 : i32 to index
        %get3A_96 = tpu.vector_load %arg6[%get3A] {strides = array<i32>} : memref<512xi32, #tpu.memory_space<vmem>>, vector<16xi32>,
        %shift_right_arithmetic3A = arith.constant 12 : i32
        %shift_right_arithmetic3A_97 = vector.broadcast %shift_right_arithmetic3A : i32 to vector<16xi32>
        %shift_right_arithmetic3A_98 = arith.shrsi %get3A_96, %shift_right_arithmetic3A_97 : vector<16xi32>
        %and3A = arith.constant 3 : i32
        %and3A_99 = vector.broadcast %and3A : i32 to vector<16xi32>
        %and3A_100 = arith.andi %shift_right_arithmetic3A_98, %and3A_99 : vector<16xi32>
        %mul3A_101 = arith.constant 32 : i32
        %mul3A_102 = vector.broadcast %mul3A_101 : i32 to vector<16xi32>
        %mul3A_103 = arith.muli %and3A_100, %mul3A_102 : vector<16xi32>
        %mul3A_104 = arith.constant 16 : i32
        %mul3A_105 = arith.muli %scan3A_87, %mul3A_104 : i32
        %add3A_106 = arith.addi %mul3A_20, %mul3A_105 : i32
        %get3A_107 = arith.index_cast %add3A_106 : i32 to index
        %get3A_108 = tpu.vector_load %arg7[%get3A_107] {strides = array<i32>} : memref<512xi32, #tpu.memory_space<vmem>>, vector<16xi32>,
        %shift_right_arithmetic3A_109 = arith.constant 12 : i32
        %shift_right_arithmetic3A_110 = vector.broadcast %shift_right_arithmetic3A_109 : i32 to vector<16xi32>
        %shift_right_arithmetic3A_111 = arith.shrsi %get3A_108, %shift_right_arithmetic3A_110 : vector<16xi32>
        %and3A_112 = arith.constant 3 : i32
        %and3A_113 = vector.broadcast %and3A_112 : i32 to vector<16xi32>
        %and3A_114 = arith.andi %shift_right_arithmetic3A_111, %and3A_113 : vector<16xi32>
        %mul3A_115 = arith.constant 32 : i32
        %mul3A_116 = vector.broadcast %mul3A_115 : i32 to vector<16xi32>
        %mul3A_117 = arith.muli %and3A_114, %mul3A_116 : vector<16xi32>
        %broadcast_in_dim3A_118 = arith.constant 0.000000e+00 : f32
        %broadcast_in_dim3A_119 = vector.broadcast %broadcast_in_dim3A_118 : f32 to vector<16xf32>
        %add3A_120 = arith.constant 0 : i32
        %add3A_121 = vector.broadcast %add3A_120 : i32 to vector<16xi32>
        %add3A_122 = arith.addi %mul3A_103, %add3A_121 : vector<16xi32>
        %gather3A = tpu.vector_load_idx %arg10[%add3A_92, %add3A_122] : memref<256x128xf32, #tpu.memory_space<vmem>>[vector<16xi32>, vector<16xi32>], vector<16xf32>,
        %bitcast3A = vector.bitcast %gather3A : vector<16xf32> to vector<16xi32>
        %add3A_123 = arith.constant 0 : i32
        %add3A_124 = vector.broadcast %add3A_123 : i32 to vector<16xi32>
        %add3A_125 = arith.addi %mul3A_117, %add3A_124 : vector<16xi32>
        %gather3A_126 = tpu.vector_load_idx %arg11[%add3A_92, %add3A_125] : memref<256x128xf32, #tpu.memory_space<vmem>>[vector<16xi32>, vector<16xi32>], vector<16xf32>,
        %bitcast3A_127 = vector.bitcast %gather3A_126 : vector<16xf32> to vector<16xi32>
        %shift_left3A = arith.constant 16 : i32
        %shift_left3A_128 = vector.broadcast %shift_left3A : i32 to vector<16xi32>
        %shift_left3A_129 = arith.shli %bitcast3A, %shift_left3A_128 : vector<16xi32>
        %bitcast3A_130 = vector.bitcast %shift_left3A_129 : vector<16xi32> to vector<16xf32>
        %and3A_131 = arith.andi %bitcast3A_127, %broadcast_in_dim3A_9 : vector<16xi32>
        %bitcast3A_132 = vector.bitcast %and3A_131 : vector<16xi32> to vector<16xf32>
        %mul3A_133 = arith.mulf %bitcast3A_130, %bitcast3A_132 : vector<16xf32>
        %add3A_134 = arith.addf %broadcast_in_dim3A_119, %mul3A_133 : vector<16xf32>
        %add3A_135 = arith.constant 1 : i32
        %add3A_136 = vector.broadcast %add3A_135 : i32 to vector<16xi32>
        %add3A_137 = arith.addi %mul3A_103, %add3A_136 : vector<16xi32>
        %gather3A_138 = tpu.vector_load_idx %arg10[%add3A_92, %add3A_137] : memref<256x128xf32, #tpu.memory_space<vmem>>[vector<16xi32>, vector<16xi32>], vector<16xf32>,
        %bitcast3A_139 = vector.bitcast %gather3A_138 : vector<16xf32> to vector<16xi32>
        %add3A_140 = arith.constant 1 : i32
        %add3A_141 = vector.broadcast %add3A_140 : i32 to vector<16xi32>
        %add3A_142 = arith.addi %mul3A_117, %add3A_141 : vector<16xi32>
        %gather3A_143 = tpu.vector_load_idx %arg11[%add3A_92, %add3A_142] : memref<256x128xf32, #tpu.memory_space<vmem>>[vector<16xi32>, vector<16xi32>], vector<16xf32>,
        %bitcast3A_144 = vector.bitcast %gather3A_143 : vector<16xf32> to vector<16xi32>
        %shift_left3A_145 = arith.constant 16 : i32
        %shift_left3A_146 = vector.broadcast %shift_left3A_145 : i32 to vector<16xi32>
        %shift_left3A_147 = arith.shli %bitcast3A_139, %shift_left3A_146 : vector<16xi32>
        %bitcast3A_148 = vector.bitcast %shift_left3A_147 : vector<16xi32> to vector<16xf32>
        %and3A_149 = arith.andi %bitcast3A_144, %broadcast_in_dim3A_9 : vector<16xi32>
        %bitcast3A_150 = vector.bitcast %and3A_149 : vector<16xi32> to vector<16xf32>
        %mul3A_151 = arith.mulf %bitcast3A_148, %bitcast3A_150 : vector<16xf32>
        %add3A_152 = arith.addf %add3A_134, %mul3A_151 : vector<16xf32>
        %add3A_153 = arith.constant 2 : i32
        %add3A_154 = vector.broadcast %add3A_153 : i32 to vector<16xi32>
        %add3A_155 = arith.addi %mul3A_103, %add3A_154 : vector<16xi32>
        %gather3A_156 = tpu.vector_load_idx %arg10[%add3A_92, %add3A_155] : memref<256x128xf32, #tpu.memory_space<vmem>>[vector<16xi32>, vector<16xi32>], vector<16xf32>,
        %bitcast3A_157 = vector.bitcast %gather3A_156 : vector<16xf32> to vector<16xi32>
        %add3A_158 = arith.constant 2 : i32
        %add3A_159 = vector.broadcast %add3A_158 : i32 to vector<16xi32>
        %add3A_160 = arith.addi %mul3A_117, %add3A_159 : vector<16xi32>
        %gather3A_161 = tpu.vector_load_idx %arg11[%add3A_92, %add3A_160] : memref<256x128xf32, #tpu.memory_space<vmem>>[vector<16xi32>, vector<16xi32>], vector<16xf32>,
        %bitcast3A_162 = vector.bitcast %gather3A_161 : vector<16xf32> to vector<16xi32>
        %shift_left3A_163 = arith.constant 16 : i32
        %shift_left3A_164 = vector.broadcast %shift_left3A_163 : i32 to vector<16xi32>
        %shift_left3A_165 = arith.shli %bitcast3A_157, %shift_left3A_164 : vector<16xi32>
        %bitcast3A_166 = vector.bitcast %shift_left3A_165 : vector<16xi32> to vector<16xf32>
        %and3A_167 = arith.andi %bitcast3A_162, %broadcast_in_dim3A_9 : vector<16xi32>
        %bitcast3A_168 = vector.bitcast %and3A_167 : vector<16xi32> to vector<16xf32>
        %mul3A_169 = arith.mulf %bitcast3A_166, %bitcast3A_168 : vector<16xf32>
        %add3A_170 = arith.addf %add3A_152, %mul3A_169 : vector<16xf32>
        %add3A_171 = arith.constant 3 : i32
        %add3A_172 = vector.broadcast %add3A_171 : i32 to vector<16xi32>
        %add3A_173 = arith.addi %mul3A_103, %add3A_172 : vector<16xi32>
        %gather3A_174 = tpu.vector_load_idx %arg10[%add3A_92, %add3A_173] : memref<256x128xf32, #tpu.memory_space<vmem>>[vector<16xi32>, vector<16xi32>], vector<16xf32>,
        %bitcast3A_175 = vector.bitcast %gather3A_174 : vector<16xf32> to vector<16xi32>
        %add3A_176 = arith.constant 3 : i32
        %add3A_177 = vector.broadcast %add3A_176 : i32 to vector<16xi32>
        %add3A_178 = arith.addi %mul3A_117, %add3A_177 : vector<16xi32>
        %gather3A_179 = tpu.vector_load_idx %arg11[%add3A_92, %add3A_178] : memref<256x128xf32, #tpu.memory_space<vmem>>[vector<16xi32>, vector<16xi32>], vector<16xf32>,
        %bitcast3A_180 = vector.bitcast %gather3A_179 : vector<16xf32> to vector<16xi32>
        %shift_left3A_181 = arith.constant 16 : i32
        %shift_left3A_182 = vector.broadcast %shift_left3A_181 : i32 to vector<16xi32>
        %shift_left3A_183 = arith.shli %bitcast3A_175, %shift_left3A_182 : vector<16xi32>
        %bitcast3A_184 = vector.bitcast %shift_left3A_183 : vector<16xi32> to vector<16xf32>
        %and3A_185 = arith.andi %bitcast3A_180, %broadcast_in_dim3A_9 : vector<16xi32>
        %bitcast3A_186 = vector.bitcast %and3A_185 : vector<16xi32> to vector<16xf32>
        %mul3A_187 = arith.mulf %bitcast3A_184, %bitcast3A_186 : vector<16xf32>
        %add3A_188 = arith.addf %add3A_170, %mul3A_187 : vector<16xf32>
        %add3A_189 = arith.constant 4 : i32
        %add3A_190 = vector.broadcast %add3A_189 : i32 to vector<16xi32>
        %add3A_191 = arith.addi %mul3A_103, %add3A_190 : vector<16xi32>
        %gather3A_192 = tpu.vector_load_idx %arg10[%add3A_92, %add3A_191] : memref<256x128xf32, #tpu.memory_space<vmem>>[vector<16xi32>, vector<16xi32>], vector<16xf32>,
        %bitcast3A_193 = vector.bitcast %gather3A_192 : vector<16xf32> to vector<16xi32>
        %add3A_194 = arith.constant 4 : i32
        %add3A_195 = vector.broadcast %add3A_194 : i32 to vector<16xi32>
        %add3A_196 = arith.addi %mul3A_117, %add3A_195 : vector<16xi32>
        %gather3A_197 = tpu.vector_load_idx %arg11[%add3A_92, %add3A_196] : memref<256x128xf32, #tpu.memory_space<vmem>>[vector<16xi32>, vector<16xi32>], vector<16xf32>,
        %bitcast3A_198 = vector.bitcast %gather3A_197 : vector<16xf32> to vector<16xi32>
        %shift_left3A_199 = arith.constant 16 : i32
        %shift_left3A_200 = vector.broadcast %shift_left3A_199 : i32 to vector<16xi32>
        %shift_left3A_201 = arith.shli %bitcast3A_193, %shift_left3A_200 : vector<16xi32>
        %bitcast3A_202 = vector.bitcast %shift_left3A_201 : vector<16xi32> to vector<16xf32>
        %and3A_203 = arith.andi %bitcast3A_198, %broadcast_in_dim3A_9 : vector<16xi32>
        %bitcast3A_204 = vector.bitcast %and3A_203 : vector<16xi32> to vector<16xf32>
        %mul3A_205 = arith.mulf %bitcast3A_202, %bitcast3A_204 : vector<16xf32>
        %add3A_206 = arith.addf %add3A_188, %mul3A_205 : vector<16xf32>
        %add3A_207 = arith.constant 5 : i32
        %add3A_208 = vector.broadcast %add3A_207 : i32 to vector<16xi32>
        %add3A_209 = arith.addi %mul3A_103, %add3A_208 : vector<16xi32>
        %gather3A_210 = tpu.vector_load_idx %arg10[%add3A_92, %add3A_209] : memref<256x128xf32, #tpu.memory_space<vmem>>[vector<16xi32>, vector<16xi32>], vector<16xf32>,
        %bitcast3A_211 = vector.bitcast %gather3A_210 : vector<16xf32> to vector<16xi32>
        %add3A_212 = arith.constant 5 : i32
        %add3A_213 = vector.broadcast %add3A_212 : i32 to vector<16xi32>
        %add3A_214 = arith.addi %mul3A_117, %add3A_213 : vector<16xi32>
        %gather3A_215 = tpu.vector_load_idx %arg11[%add3A_92, %add3A_214] : memref<256x128xf32, #tpu.memory_space<vmem>>[vector<16xi32>, vector<16xi32>], vector<16xf32>,
        %bitcast3A_216 = vector.bitcast %gather3A_215 : vector<16xf32> to vector<16xi32>
        %shift_left3A_217 = arith.constant 16 : i32
        %shift_left3A_218 = vector.broadcast %shift_left3A_217 : i32 to vector<16xi32>
        %shift_left3A_219 = arith.shli %bitcast3A_211, %shift_left3A_218 : vector<16xi32>
        %bitcast3A_220 = vector.bitcast %shift_left3A_219 : vector<16xi32> to vector<16xf32>
        %and3A_221 = arith.andi %bitcast3A_216, %broadcast_in_dim3A_9 : vector<16xi32>
        %bitcast3A_222 = vector.bitcast %and3A_221 : vector<16xi32> to vector<16xf32>
        %mul3A_223 = arith.mulf %bitcast3A_220, %bitcast3A_222 : vector<16xf32>
        %add3A_224 = arith.addf %add3A_206, %mul3A_223 : vector<16xf32>
        %add3A_225 = arith.constant 6 : i32
        %add3A_226 = vector.broadcast %add3A_225 : i32 to vector<16xi32>
        %add3A_227 = arith.addi %mul3A_103, %add3A_226 : vector<16xi32>
        %gather3A_228 = tpu.vector_load_idx %arg10[%add3A_92, %add3A_227] : memref<256x128xf32, #tpu.memory_space<vmem>>[vector<16xi32>, vector<16xi32>], vector<16xf32>,
        %bitcast3A_229 = vector.bitcast %gather3A_228 : vector<16xf32> to vector<16xi32>
        %add3A_230 = arith.constant 6 : i32
        %add3A_231 = vector.broadcast %add3A_230 : i32 to vector<16xi32>
        %add3A_232 = arith.addi %mul3A_117, %add3A_231 : vector<16xi32>
        %gather3A_233 = tpu.vector_load_idx %arg11[%add3A_92, %add3A_232] : memref<256x128xf32, #tpu.memory_space<vmem>>[vector<16xi32>, vector<16xi32>], vector<16xf32>,
        %bitcast3A_234 = vector.bitcast %gather3A_233 : vector<16xf32> to vector<16xi32>
        %shift_left3A_235 = arith.constant 16 : i32
        %shift_left3A_236 = vector.broadcast %shift_left3A_235 : i32 to vector<16xi32>
        %shift_left3A_237 = arith.shli %bitcast3A_229, %shift_left3A_236 : vector<16xi32>
        %bitcast3A_238 = vector.bitcast %shift_left3A_237 : vector<16xi32> to vector<16xf32>
        %and3A_239 = arith.andi %bitcast3A_234, %broadcast_in_dim3A_9 : vector<16xi32>
        %bitcast3A_240 = vector.bitcast %and3A_239 : vector<16xi32> to vector<16xf32>
        %mul3A_241 = arith.mulf %bitcast3A_238, %bitcast3A_240 : vector<16xf32>
        %add3A_242 = arith.addf %add3A_224, %mul3A_241 : vector<16xf32>
        %add3A_243 = arith.constant 7 : i32
        %add3A_244 = vector.broadcast %add3A_243 : i32 to vector<16xi32>
        %add3A_245 = arith.addi %mul3A_103, %add3A_244 : vector<16xi32>
        %gather3A_246 = tpu.vector_load_idx %arg10[%add3A_92, %add3A_245] : memref<256x128xf32, #tpu.memory_space<vmem>>[vector<16xi32>, vector<16xi32>], vector<16xf32>,
        %bitcast3A_247 = vector.bitcast %gather3A_246 : vector<16xf32> to vector<16xi32>
        %add3A_248 = arith.constant 7 : i32
        %add3A_249 = vector.broadcast %add3A_248 : i32 to vector<16xi32>
        %add3A_250 = arith.addi %mul3A_117, %add3A_249 : vector<16xi32>
        %gather3A_251 = tpu.vector_load_idx %arg11[%add3A_92, %add3A_250] : memref<256x128xf32, #tpu.memory_space<vmem>>[vector<16xi32>, vector<16xi32>], vector<16xf32>,
        %bitcast3A_252 = vector.bitcast %gather3A_251 : vector<16xf32> to vector<16xi32>
        %shift_left3A_253 = arith.constant 16 : i32
        %shift_left3A_254 = vector.broadcast %shift_left3A_253 : i32 to vector<16xi32>
        %shift_left3A_255 = arith.shli %bitcast3A_247, %shift_left3A_254 : vector<16xi32>
        %bitcast3A_256 = vector.bitcast %shift_left3A_255 : vector<16xi32> to vector<16xf32>
        %and3A_257 = arith.andi %bitcast3A_252, %broadcast_in_dim3A_9 : vector<16xi32>
        %bitcast3A_258 = vector.bitcast %and3A_257 : vector<16xi32> to vector<16xf32>
        %mul3A_259 = arith.mulf %bitcast3A_256, %bitcast3A_258 : vector<16xf32>
        %add3A_260 = arith.addf %add3A_242, %mul3A_259 : vector<16xf32>
        %add3A_261 = arith.constant 8 : i32
        %add3A_262 = vector.broadcast %add3A_261 : i32 to vector<16xi32>
        %add3A_263 = arith.addi %mul3A_103, %add3A_262 : vector<16xi32>
        %gather3A_264 = tpu.vector_load_idx %arg10[%add3A_92, %add3A_263] : memref<256x128xf32, #tpu.memory_space<vmem>>[vector<16xi32>, vector<16xi32>], vector<16xf32>,
        %bitcast3A_265 = vector.bitcast %gather3A_264 : vector<16xf32> to vector<16xi32>
        %add3A_266 = arith.constant 8 : i32
        %add3A_267 = vector.broadcast %add3A_266 : i32 to vector<16xi32>
        %add3A_268 = arith.addi %mul3A_117, %add3A_267 : vector<16xi32>
        %gather3A_269 = tpu.vector_load_idx %arg11[%add3A_92, %add3A_268] : memref<256x128xf32, #tpu.memory_space<vmem>>[vector<16xi32>, vector<16xi32>], vector<16xf32>,
        %bitcast3A_270 = vector.bitcast %gather3A_269 : vector<16xf32> to vector<16xi32>
        %shift_left3A_271 = arith.constant 16 : i32
        %shift_left3A_272 = vector.broadcast %shift_left3A_271 : i32 to vector<16xi32>
        %shift_left3A_273 = arith.shli %bitcast3A_265, %shift_left3A_272 : vector<16xi32>
        %bitcast3A_274 = vector.bitcast %shift_left3A_273 : vector<16xi32> to vector<16xf32>
        %and3A_275 = arith.andi %bitcast3A_270, %broadcast_in_dim3A_9 : vector<16xi32>
        %bitcast3A_276 = vector.bitcast %and3A_275 : vector<16xi32> to vector<16xf32>
        %mul3A_277 = arith.mulf %bitcast3A_274, %bitcast3A_276 : vector<16xf32>
        %add3A_278 = arith.addf %add3A_260, %mul3A_277 : vector<16xf32>
        %add3A_279 = arith.constant 9 : i32
        %add3A_280 = vector.broadcast %add3A_279 : i32 to vector<16xi32>
        %add3A_281 = arith.addi %mul3A_103, %add3A_280 : vector<16xi32>
        %gather3A_282 = tpu.vector_load_idx %arg10[%add3A_92, %add3A_281] : memref<256x128xf32, #tpu.memory_space<vmem>>[vector<16xi32>, vector<16xi32>], vector<16xf32>,
        %bitcast3A_283 = vector.bitcast %gather3A_282 : vector<16xf32> to vector<16xi32>
        %add3A_284 = arith.constant 9 : i32
        %add3A_285 = vector.broadcast %add3A_284 : i32 to vector<16xi32>
        %add3A_286 = arith.addi %mul3A_117, %add3A_285 : vector<16xi32>
        %gather3A_287 = tpu.vector_load_idx %arg11[%add3A_92, %add3A_286] : memref<256x128xf32, #tpu.memory_space<vmem>>[vector<16xi32>, vector<16xi32>], vector<16xf32>,
        %bitcast3A_288 = vector.bitcast %gather3A_287 : vector<16xf32> to vector<16xi32>
        %shift_left3A_289 = arith.constant 16 : i32
        %shift_left3A_290 = vector.broadcast %shift_left3A_289 : i32 to vector<16xi32>
        %shift_left3A_291 = arith.shli %bitcast3A_283, %shift_left3A_290 : vector<16xi32>
        %bitcast3A_292 = vector.bitcast %shift_left3A_291 : vector<16xi32> to vector<16xf32>
        %and3A_293 = arith.andi %bitcast3A_288, %broadcast_in_dim3A_9 : vector<16xi32>
        %bitcast3A_294 = vector.bitcast %and3A_293 : vector<16xi32> to vector<16xf32>
        %mul3A_295 = arith.mulf %bitcast3A_292, %bitcast3A_294 : vector<16xf32>
        %add3A_296 = arith.addf %add3A_278, %mul3A_295 : vector<16xf32>
        %add3A_297 = arith.constant 10 : i32
        %add3A_298 = vector.broadcast %add3A_297 : i32 to vector<16xi32>
        %add3A_299 = arith.addi %mul3A_103, %add3A_298 : vector<16xi32>
        %gather3A_300 = tpu.vector_load_idx %arg10[%add3A_92, %add3A_299] : memref<256x128xf32, #tpu.memory_space<vmem>>[vector<16xi32>, vector<16xi32>], vector<16xf32>,
        %bitcast3A_301 = vector.bitcast %gather3A_300 : vector<16xf32> to vector<16xi32>
        %add3A_302 = arith.constant 10 : i32
        %add3A_303 = vector.broadcast %add3A_302 : i32 to vector<16xi32>
        %add3A_304 = arith.addi %mul3A_117, %add3A_303 : vector<16xi32>
        %gather3A_305 = tpu.vector_load_idx %arg11[%add3A_92, %add3A_304] : memref<256x128xf32, #tpu.memory_space<vmem>>[vector<16xi32>, vector<16xi32>], vector<16xf32>,
        %bitcast3A_306 = vector.bitcast %gather3A_305 : vector<16xf32> to vector<16xi32>
        %shift_left3A_307 = arith.constant 16 : i32
        %shift_left3A_308 = vector.broadcast %shift_left3A_307 : i32 to vector<16xi32>
        %shift_left3A_309 = arith.shli %bitcast3A_301, %shift_left3A_308 : vector<16xi32>
        %bitcast3A_310 = vector.bitcast %shift_left3A_309 : vector<16xi32> to vector<16xf32>
        %and3A_311 = arith.andi %bitcast3A_306, %broadcast_in_dim3A_9 : vector<16xi32>
        %bitcast3A_312 = vector.bitcast %and3A_311 : vector<16xi32> to vector<16xf32>
        %mul3A_313 = arith.mulf %bitcast3A_310, %bitcast3A_312 : vector<16xf32>
        %add3A_314 = arith.addf %add3A_296, %mul3A_313 : vector<16xf32>
        %add3A_315 = arith.constant 11 : i32
        %add3A_316 = vector.broadcast %add3A_315 : i32 to vector<16xi32>
        %add3A_317 = arith.addi %mul3A_103, %add3A_316 : vector<16xi32>
        %gather3A_318 = tpu.vector_load_idx %arg10[%add3A_92, %add3A_317] : memref<256x128xf32, #tpu.memory_space<vmem>>[vector<16xi32>, vector<16xi32>], vector<16xf32>,
        %bitcast3A_319 = vector.bitcast %gather3A_318 : vector<16xf32> to vector<16xi32>
        %add3A_320 = arith.constant 11 : i32
        %add3A_321 = vector.broadcast %add3A_320 : i32 to vector<16xi32>
        %add3A_322 = arith.addi %mul3A_117, %add3A_321 : vector<16xi32>
        %gather3A_323 = tpu.vector_load_idx %arg11[%add3A_92, %add3A_322] : memref<256x128xf32, #tpu.memory_space<vmem>>[vector<16xi32>, vector<16xi32>], vector<16xf32>,
        %bitcast3A_324 = vector.bitcast %gather3A_323 : vector<16xf32> to vector<16xi32>
        %shift_left3A_325 = arith.constant 16 : i32
        %shift_left3A_326 = vector.broadcast %shift_left3A_325 : i32 to vector<16xi32>
        %shift_left3A_327 = arith.shli %bitcast3A_319, %shift_left3A_326 : vector<16xi32>
        %bitcast3A_328 = vector.bitcast %shift_left3A_327 : vector<16xi32> to vector<16xf32>
        %and3A_329 = arith.andi %bitcast3A_324, %broadcast_in_dim3A_9 : vector<16xi32>
        %bitcast3A_330 = vector.bitcast %and3A_329 : vector<16xi32> to vector<16xf32>
        %mul3A_331 = arith.mulf %bitcast3A_328, %bitcast3A_330 : vector<16xf32>
        %add3A_332 = arith.addf %add3A_314, %mul3A_331 : vector<16xf32>
        %add3A_333 = arith.constant 12 : i32
        %add3A_334 = vector.broadcast %add3A_333 : i32 to vector<16xi32>
        %add3A_335 = arith.addi %mul3A_103, %add3A_334 : vector<16xi32>
        %gather3A_336 = tpu.vector_load_idx %arg10[%add3A_92, %add3A_335] : memref<256x128xf32, #tpu.memory_space<vmem>>[vector<16xi32>, vector<16xi32>], vector<16xf32>,
        %bitcast3A_337 = vector.bitcast %gather3A_336 : vector<16xf32> to vector<16xi32>
        %add3A_338 = arith.constant 12 : i32
        %add3A_339 = vector.broadcast %add3A_338 : i32 to vector<16xi32>
        %add3A_340 = arith.addi %mul3A_117, %add3A_339 : vector<16xi32>
        %gather3A_341 = tpu.vector_load_idx %arg11[%add3A_92, %add3A_340] : memref<256x128xf32, #tpu.memory_space<vmem>>[vector<16xi32>, vector<16xi32>], vector<16xf32>,
        %bitcast3A_342 = vector.bitcast %gather3A_341 : vector<16xf32> to vector<16xi32>
        %shift_left3A_343 = arith.constant 16 : i32
        %shift_left3A_344 = vector.broadcast %shift_left3A_343 : i32 to vector<16xi32>
        %shift_left3A_345 = arith.shli %bitcast3A_337, %shift_left3A_344 : vector<16xi32>
        %bitcast3A_346 = vector.bitcast %shift_left3A_345 : vector<16xi32> to vector<16xf32>
        %and3A_347 = arith.andi %bitcast3A_342, %broadcast_in_dim3A_9 : vector<16xi32>
        %bitcast3A_348 = vector.bitcast %and3A_347 : vector<16xi32> to vector<16xf32>
        %mul3A_349 = arith.mulf %bitcast3A_346, %bitcast3A_348 : vector<16xf32>
        %add3A_350 = arith.addf %add3A_332, %mul3A_349 : vector<16xf32>
        %add3A_351 = arith.constant 13 : i32
        %add3A_352 = vector.broadcast %add3A_351 : i32 to vector<16xi32>
        %add3A_353 = arith.addi %mul3A_103, %add3A_352 : vector<16xi32>
        %gather3A_354 = tpu.vector_load_idx %arg10[%add3A_92, %add3A_353] : memref<256x128xf32, #tpu.memory_space<vmem>>[vector<16xi32>, vector<16xi32>], vector<16xf32>,
        %bitcast3A_355 = vector.bitcast %gather3A_354 : vector<16xf32> to vector<16xi32>
        %add3A_356 = arith.constant 13 : i32
        %add3A_357 = vector.broadcast %add3A_356 : i32 to vector<16xi32>
        %add3A_358 = arith.addi %mul3A_117, %add3A_357 : vector<16xi32>
        %gather3A_359 = tpu.vector_load_idx %arg11[%add3A_92, %add3A_358] : memref<256x128xf32, #tpu.memory_space<vmem>>[vector<16xi32>, vector<16xi32>], vector<16xf32>,
        %bitcast3A_360 = vector.bitcast %gather3A_359 : vector<16xf32> to vector<16xi32>
        %shift_left3A_361 = arith.constant 16 : i32
        %shift_left3A_362 = vector.broadcast %shift_left3A_361 : i32 to vector<16xi32>
        %shift_left3A_363 = arith.shli %bitcast3A_355, %shift_left3A_362 : vector<16xi32>
        %bitcast3A_364 = vector.bitcast %shift_left3A_363 : vector<16xi32> to vector<16xf32>
        %and3A_365 = arith.andi %bitcast3A_360, %broadcast_in_dim3A_9 : vector<16xi32>
        %bitcast3A_366 = vector.bitcast %and3A_365 : vector<16xi32> to vector<16xf32>
        %mul3A_367 = arith.mulf %bitcast3A_364, %bitcast3A_366 : vector<16xf32>
        %add3A_368 = arith.addf %add3A_350, %mul3A_367 : vector<16xf32>
        %add3A_369 = arith.constant 14 : i32
        %add3A_370 = vector.broadcast %add3A_369 : i32 to vector<16xi32>
        %add3A_371 = arith.addi %mul3A_103, %add3A_370 : vector<16xi32>
        %gather3A_372 = tpu.vector_load_idx %arg10[%add3A_92, %add3A_371] : memref<256x128xf32, #tpu.memory_space<vmem>>[vector<16xi32>, vector<16xi32>], vector<16xf32>,
        %bitcast3A_373 = vector.bitcast %gather3A_372 : vector<16xf32> to vector<16xi32>
        %add3A_374 = arith.constant 14 : i32
        %add3A_375 = vector.broadcast %add3A_374 : i32 to vector<16xi32>
        %add3A_376 = arith.addi %mul3A_117, %add3A_375 : vector<16xi32>
        %gather3A_377 = tpu.vector_load_idx %arg11[%add3A_92, %add3A_376] : memref<256x128xf32, #tpu.memory_space<vmem>>[vector<16xi32>, vector<16xi32>], vector<16xf32>,
        %bitcast3A_378 = vector.bitcast %gather3A_377 : vector<16xf32> to vector<16xi32>
        %shift_left3A_379 = arith.constant 16 : i32
        %shift_left3A_380 = vector.broadcast %shift_left3A_379 : i32 to vector<16xi32>
        %shift_left3A_381 = arith.shli %bitcast3A_373, %shift_left3A_380 : vector<16xi32>
        %bitcast3A_382 = vector.bitcast %shift_left3A_381 : vector<16xi32> to vector<16xf32>
        %and3A_383 = arith.andi %bitcast3A_378, %broadcast_in_dim3A_9 : vector<16xi32>
        %bitcast3A_384 = vector.bitcast %and3A_383 : vector<16xi32> to vector<16xf32>
        %mul3A_385 = arith.mulf %bitcast3A_382, %bitcast3A_384 : vector<16xf32>
        %add3A_386 = arith.addf %add3A_368, %mul3A_385 : vector<16xf32>
        %add3A_387 = arith.constant 15 : i32
        %add3A_388 = vector.broadcast %add3A_387 : i32 to vector<16xi32>
        %add3A_389 = arith.addi %mul3A_103, %add3A_388 : vector<16xi32>
        %gather3A_390 = tpu.vector_load_idx %arg10[%add3A_92, %add3A_389] : memref<256x128xf32, #tpu.memory_space<vmem>>[vector<16xi32>, vector<16xi32>], vector<16xf32>,
        %bitcast3A_391 = vector.bitcast %gather3A_390 : vector<16xf32> to vector<16xi32>
        %add3A_392 = arith.constant 15 : i32
        %add3A_393 = vector.broadcast %add3A_392 : i32 to vector<16xi32>
        %add3A_394 = arith.addi %mul3A_117, %add3A_393 : vector<16xi32>
        %gather3A_395 = tpu.vector_load_idx %arg11[%add3A_92, %add3A_394] : memref<256x128xf32, #tpu.memory_space<vmem>>[vector<16xi32>, vector<16xi32>], vector<16xf32>,
        %bitcast3A_396 = vector.bitcast %gather3A_395 : vector<16xf32> to vector<16xi32>
        %shift_left3A_397 = arith.constant 16 : i32
        %shift_left3A_398 = vector.broadcast %shift_left3A_397 : i32 to vector<16xi32>
        %shift_left3A_399 = arith.shli %bitcast3A_391, %shift_left3A_398 : vector<16xi32>
        %bitcast3A_400 = vector.bitcast %shift_left3A_399 : vector<16xi32> to vector<16xf32>
        %and3A_401 = arith.andi %bitcast3A_396, %broadcast_in_dim3A_9 : vector<16xi32>
        %bitcast3A_402 = vector.bitcast %and3A_401 : vector<16xi32> to vector<16xf32>
        %mul3A_403 = arith.mulf %bitcast3A_400, %bitcast3A_402 : vector<16xf32>
        %add3A_404 = arith.addf %add3A_386, %mul3A_403 : vector<16xf32>
        %add3A_405 = arith.constant 16 : i32
        %add3A_406 = vector.broadcast %add3A_405 : i32 to vector<16xi32>
        %add3A_407 = arith.addi %mul3A_103, %add3A_406 : vector<16xi32>
        %gather3A_408 = tpu.vector_load_idx %arg10[%add3A_92, %add3A_407] : memref<256x128xf32, #tpu.memory_space<vmem>>[vector<16xi32>, vector<16xi32>], vector<16xf32>,
        %bitcast3A_409 = vector.bitcast %gather3A_408 : vector<16xf32> to vector<16xi32>
        %add3A_410 = arith.constant 16 : i32
        %add3A_411 = vector.broadcast %add3A_410 : i32 to vector<16xi32>
        %add3A_412 = arith.addi %mul3A_117, %add3A_411 : vector<16xi32>
        %gather3A_413 = tpu.vector_load_idx %arg11[%add3A_92, %add3A_412] : memref<256x128xf32, #tpu.memory_space<vmem>>[vector<16xi32>, vector<16xi32>], vector<16xf32>,
        %bitcast3A_414 = vector.bitcast %gather3A_413 : vector<16xf32> to vector<16xi32>
        %shift_left3A_415 = arith.constant 16 : i32
        %shift_left3A_416 = vector.broadcast %shift_left3A_415 : i32 to vector<16xi32>
        %shift_left3A_417 = arith.shli %bitcast3A_409, %shift_left3A_416 : vector<16xi32>
        %bitcast3A_418 = vector.bitcast %shift_left3A_417 : vector<16xi32> to vector<16xf32>
        %and3A_419 = arith.andi %bitcast3A_414, %broadcast_in_dim3A_9 : vector<16xi32>
        %bitcast3A_420 = vector.bitcast %and3A_419 : vector<16xi32> to vector<16xf32>
        %mul3A_421 = arith.mulf %bitcast3A_418, %bitcast3A_420 : vector<16xf32>
        %add3A_422 = arith.addf %add3A_404, %mul3A_421 : vector<16xf32>
        %add3A_423 = arith.constant 17 : i32
        %add3A_424 = vector.broadcast %add3A_423 : i32 to vector<16xi32>
        %add3A_425 = arith.addi %mul3A_103, %add3A_424 : vector<16xi32>
        %gather3A_426 = tpu.vector_load_idx %arg10[%add3A_92, %add3A_425] : memref<256x128xf32, #tpu.memory_space<vmem>>[vector<16xi32>, vector<16xi32>], vector<16xf32>,
        %bitcast3A_427 = vector.bitcast %gather3A_426 : vector<16xf32> to vector<16xi32>
        %add3A_428 = arith.constant 17 : i32
        %add3A_429 = vector.broadcast %add3A_428 : i32 to vector<16xi32>
        %add3A_430 = arith.addi %mul3A_117, %add3A_429 : vector<16xi32>
        %gather3A_431 = tpu.vector_load_idx %arg11[%add3A_92, %add3A_430] : memref<256x128xf32, #tpu.memory_space<vmem>>[vector<16xi32>, vector<16xi32>], vector<16xf32>,
        %bitcast3A_432 = vector.bitcast %gather3A_431 : vector<16xf32> to vector<16xi32>
        %shift_left3A_433 = arith.constant 16 : i32
        %shift_left3A_434 = vector.broadcast %shift_left3A_433 : i32 to vector<16xi32>
        %shift_left3A_435 = arith.shli %bitcast3A_427, %shift_left3A_434 : vector<16xi32>
        %bitcast3A_436 = vector.bitcast %shift_left3A_435 : vector<16xi32> to vector<16xf32>
        %and3A_437 = arith.andi %bitcast3A_432, %broadcast_in_dim3A_9 : vector<16xi32>
        %bitcast3A_438 = vector.bitcast %and3A_437 : vector<16xi32> to vector<16xf32>
        %mul3A_439 = arith.mulf %bitcast3A_436, %bitcast3A_438 : vector<16xf32>
        %add3A_440 = arith.addf %add3A_422, %mul3A_439 : vector<16xf32>
        %add3A_441 = arith.constant 18 : i32
        %add3A_442 = vector.broadcast %add3A_441 : i32 to vector<16xi32>
        %add3A_443 = arith.addi %mul3A_103, %add3A_442 : vector<16xi32>
        %gather3A_444 = tpu.vector_load_idx %arg10[%add3A_92, %add3A_443] : memref<256x128xf32, #tpu.memory_space<vmem>>[vector<16xi32>, vector<16xi32>], vector<16xf32>,
        %bitcast3A_445 = vector.bitcast %gather3A_444 : vector<16xf32> to vector<16xi32>
        %add3A_446 = arith.constant 18 : i32
        %add3A_447 = vector.broadcast %add3A_446 : i32 to vector<16xi32>
        %add3A_448 = arith.addi %mul3A_117, %add3A_447 : vector<16xi32>
        %gather3A_449 = tpu.vector_load_idx %arg11[%add3A_92, %add3A_448] : memref<256x128xf32, #tpu.memory_space<vmem>>[vector<16xi32>, vector<16xi32>], vector<16xf32>,
        %bitcast3A_450 = vector.bitcast %gather3A_449 : vector<16xf32> to vector<16xi32>
        %shift_left3A_451 = arith.constant 16 : i32
        %shift_left3A_452 = vector.broadcast %shift_left3A_451 : i32 to vector<16xi32>
        %shift_left3A_453 = arith.shli %bitcast3A_445, %shift_left3A_452 : vector<16xi32>
        %bitcast3A_454 = vector.bitcast %shift_left3A_453 : vector<16xi32> to vector<16xf32>
        %and3A_455 = arith.andi %bitcast3A_450, %broadcast_in_dim3A_9 : vector<16xi32>
        %bitcast3A_456 = vector.bitcast %and3A_455 : vector<16xi32> to vector<16xf32>
        %mul3A_457 = arith.mulf %bitcast3A_454, %bitcast3A_456 : vector<16xf32>
        %add3A_458 = arith.addf %add3A_440, %mul3A_457 : vector<16xf32>
        %add3A_459 = arith.constant 19 : i32
        %add3A_460 = vector.broadcast %add3A_459 : i32 to vector<16xi32>
        %add3A_461 = arith.addi %mul3A_103, %add3A_460 : vector<16xi32>
        %gather3A_462 = tpu.vector_load_idx %arg10[%add3A_92, %add3A_461] : memref<256x128xf32, #tpu.memory_space<vmem>>[vector<16xi32>, vector<16xi32>], vector<16xf32>,
        %bitcast3A_463 = vector.bitcast %gather3A_462 : vector<16xf32> to vector<16xi32>
        %add3A_464 = arith.constant 19 : i32
        %add3A_465 = vector.broadcast %add3A_464 : i32 to vector<16xi32>
        %add3A_466 = arith.addi %mul3A_117, %add3A_465 : vector<16xi32>
        %gather3A_467 = tpu.vector_load_idx %arg11[%add3A_92, %add3A_466] : memref<256x128xf32, #tpu.memory_space<vmem>>[vector<16xi32>, vector<16xi32>], vector<16xf32>,
        %bitcast3A_468 = vector.bitcast %gather3A_467 : vector<16xf32> to vector<16xi32>
        %shift_left3A_469 = arith.constant 16 : i32
        %shift_left3A_470 = vector.broadcast %shift_left3A_469 : i32 to vector<16xi32>
        %shift_left3A_471 = arith.shli %bitcast3A_463, %shift_left3A_470 : vector<16xi32>
        %bitcast3A_472 = vector.bitcast %shift_left3A_471 : vector<16xi32> to vector<16xf32>
        %and3A_473 = arith.andi %bitcast3A_468, %broadcast_in_dim3A_9 : vector<16xi32>
        %bitcast3A_474 = vector.bitcast %and3A_473 : vector<16xi32> to vector<16xf32>
        %mul3A_475 = arith.mulf %bitcast3A_472, %bitcast3A_474 : vector<16xf32>
        %add3A_476 = arith.addf %add3A_458, %mul3A_475 : vector<16xf32>
        %add3A_477 = arith.constant 20 : i32
        %add3A_478 = vector.broadcast %add3A_477 : i32 to vector<16xi32>
        %add3A_479 = arith.addi %mul3A_103, %add3A_478 : vector<16xi32>
        %gather3A_480 = tpu.vector_load_idx %arg10[%add3A_92, %add3A_479] : memref<256x128xf32, #tpu.memory_space<vmem>>[vector<16xi32>, vector<16xi32>], vector<16xf32>,
        %bitcast3A_481 = vector.bitcast %gather3A_480 : vector<16xf32> to vector<16xi32>
        %add3A_482 = arith.constant 20 : i32
        %add3A_483 = vector.broadcast %add3A_482 : i32 to vector<16xi32>
        %add3A_484 = arith.addi %mul3A_117, %add3A_483 : vector<16xi32>
        %gather3A_485 = tpu.vector_load_idx %arg11[%add3A_92, %add3A_484] : memref<256x128xf32, #tpu.memory_space<vmem>>[vector<16xi32>, vector<16xi32>], vector<16xf32>,
        %bitcast3A_486 = vector.bitcast %gather3A_485 : vector<16xf32> to vector<16xi32>
        %shift_left3A_487 = arith.constant 16 : i32
        %shift_left3A_488 = vector.broadcast %shift_left3A_487 : i32 to vector<16xi32>
        %shift_left3A_489 = arith.shli %bitcast3A_481, %shift_left3A_488 : vector<16xi32>
        %bitcast3A_490 = vector.bitcast %shift_left3A_489 : vector<16xi32> to vector<16xf32>
        %and3A_491 = arith.andi %bitcast3A_486, %broadcast_in_dim3A_9 : vector<16xi32>
        %bitcast3A_492 = vector.bitcast %and3A_491 : vector<16xi32> to vector<16xf32>
        %mul3A_493 = arith.mulf %bitcast3A_490, %bitcast3A_492 : vector<16xf32>
        %add3A_494 = arith.addf %add3A_476, %mul3A_493 : vector<16xf32>
        %add3A_495 = arith.constant 21 : i32
        %add3A_496 = vector.broadcast %add3A_495 : i32 to vector<16xi32>
        %add3A_497 = arith.addi %mul3A_103, %add3A_496 : vector<16xi32>
        %gather3A_498 = tpu.vector_load_idx %arg10[%add3A_92, %add3A_497] : memref<256x128xf32, #tpu.memory_space<vmem>>[vector<16xi32>, vector<16xi32>], vector<16xf32>,
        %bitcast3A_499 = vector.bitcast %gather3A_498 : vector<16xf32> to vector<16xi32>
        %add3A_500 = arith.constant 21 : i32
        %add3A_501 = vector.broadcast %add3A_500 : i32 to vector<16xi32>
        %add3A_502 = arith.addi %mul3A_117, %add3A_501 : vector<16xi32>
        %gather3A_503 = tpu.vector_load_idx %arg11[%add3A_92, %add3A_502] : memref<256x128xf32, #tpu.memory_space<vmem>>[vector<16xi32>, vector<16xi32>], vector<16xf32>,
        %bitcast3A_504 = vector.bitcast %gather3A_503 : vector<16xf32> to vector<16xi32>
        %shift_left3A_505 = arith.constant 16 : i32
        %shift_left3A_506 = vector.broadcast %shift_left3A_505 : i32 to vector<16xi32>
        %shift_left3A_507 = arith.shli %bitcast3A_499, %shift_left3A_506 : vector<16xi32>
        %bitcast3A_508 = vector.bitcast %shift_left3A_507 : vector<16xi32> to vector<16xf32>
        %and3A_509 = arith.andi %bitcast3A_504, %broadcast_in_dim3A_9 : vector<16xi32>
        %bitcast3A_510 = vector.bitcast %and3A_509 : vector<16xi32> to vector<16xf32>
        %mul3A_511 = arith.mulf %bitcast3A_508, %bitcast3A_510 : vector<16xf32>
        %add3A_512 = arith.addf %add3A_494, %mul3A_511 : vector<16xf32>
        %add3A_513 = arith.constant 22 : i32
        %add3A_514 = vector.broadcast %add3A_513 : i32 to vector<16xi32>
        %add3A_515 = arith.addi %mul3A_103, %add3A_514 : vector<16xi32>
        %gather3A_516 = tpu.vector_load_idx %arg10[%add3A_92, %add3A_515] : memref<256x128xf32, #tpu.memory_space<vmem>>[vector<16xi32>, vector<16xi32>], vector<16xf32>,
        %bitcast3A_517 = vector.bitcast %gather3A_516 : vector<16xf32> to vector<16xi32>
        %add3A_518 = arith.constant 22 : i32
        %add3A_519 = vector.broadcast %add3A_518 : i32 to vector<16xi32>
        %add3A_520 = arith.addi %mul3A_117, %add3A_519 : vector<16xi32>
        %gather3A_521 = tpu.vector_load_idx %arg11[%add3A_92, %add3A_520] : memref<256x128xf32, #tpu.memory_space<vmem>>[vector<16xi32>, vector<16xi32>], vector<16xf32>,
        %bitcast3A_522 = vector.bitcast %gather3A_521 : vector<16xf32> to vector<16xi32>
        %shift_left3A_523 = arith.constant 16 : i32
        %shift_left3A_524 = vector.broadcast %shift_left3A_523 : i32 to vector<16xi32>
        %shift_left3A_525 = arith.shli %bitcast3A_517, %shift_left3A_524 : vector<16xi32>
        %bitcast3A_526 = vector.bitcast %shift_left3A_525 : vector<16xi32> to vector<16xf32>
        %and3A_527 = arith.andi %bitcast3A_522, %broadcast_in_dim3A_9 : vector<16xi32>
        %bitcast3A_528 = vector.bitcast %and3A_527 : vector<16xi32> to vector<16xf32>
        %mul3A_529 = arith.mulf %bitcast3A_526, %bitcast3A_528 : vector<16xf32>
        %add3A_530 = arith.addf %add3A_512, %mul3A_529 : vector<16xf32>
        %add3A_531 = arith.constant 23 : i32
        %add3A_532 = vector.broadcast %add3A_531 : i32 to vector<16xi32>
        %add3A_533 = arith.addi %mul3A_103, %add3A_532 : vector<16xi32>
        %gather3A_534 = tpu.vector_load_idx %arg10[%add3A_92, %add3A_533] : memref<256x128xf32, #tpu.memory_space<vmem>>[vector<16xi32>, vector<16xi32>], vector<16xf32>,
        %bitcast3A_535 = vector.bitcast %gather3A_534 : vector<16xf32> to vector<16xi32>
        %add3A_536 = arith.constant 23 : i32
        %add3A_537 = vector.broadcast %add3A_536 : i32 to vector<16xi32>
        %add3A_538 = arith.addi %mul3A_117, %add3A_537 : vector<16xi32>
        %gather3A_539 = tpu.vector_load_idx %arg11[%add3A_92, %add3A_538] : memref<256x128xf32, #tpu.memory_space<vmem>>[vector<16xi32>, vector<16xi32>], vector<16xf32>,
        %bitcast3A_540 = vector.bitcast %gather3A_539 : vector<16xf32> to vector<16xi32>
        %shift_left3A_541 = arith.constant 16 : i32
        %shift_left3A_542 = vector.broadcast %shift_left3A_541 : i32 to vector<16xi32>
        %shift_left3A_543 = arith.shli %bitcast3A_535, %shift_left3A_542 : vector<16xi32>
        %bitcast3A_544 = vector.bitcast %shift_left3A_543 : vector<16xi32> to vector<16xf32>
        %and3A_545 = arith.andi %bitcast3A_540, %broadcast_in_dim3A_9 : vector<16xi32>
        %bitcast3A_546 = vector.bitcast %and3A_545 : vector<16xi32> to vector<16xf32>
        %mul3A_547 = arith.mulf %bitcast3A_544, %bitcast3A_546 : vector<16xf32>
        %add3A_548 = arith.addf %add3A_530, %mul3A_547 : vector<16xf32>
        %add3A_549 = arith.constant 24 : i32
        %add3A_550 = vector.broadcast %add3A_549 : i32 to vector<16xi32>
        %add3A_551 = arith.addi %mul3A_103, %add3A_550 : vector<16xi32>
        %gather3A_552 = tpu.vector_load_idx %arg10[%add3A_92, %add3A_551] : memref<256x128xf32, #tpu.memory_space<vmem>>[vector<16xi32>, vector<16xi32>], vector<16xf32>,
        %bitcast3A_553 = vector.bitcast %gather3A_552 : vector<16xf32> to vector<16xi32>
        %add3A_554 = arith.constant 24 : i32
        %add3A_555 = vector.broadcast %add3A_554 : i32 to vector<16xi32>
        %add3A_556 = arith.addi %mul3A_117, %add3A_555 : vector<16xi32>
        %gather3A_557 = tpu.vector_load_idx %arg11[%add3A_92, %add3A_556] : memref<256x128xf32, #tpu.memory_space<vmem>>[vector<16xi32>, vector<16xi32>], vector<16xf32>,
        %bitcast3A_558 = vector.bitcast %gather3A_557 : vector<16xf32> to vector<16xi32>
        %shift_left3A_559 = arith.constant 16 : i32
        %shift_left3A_560 = vector.broadcast %shift_left3A_559 : i32 to vector<16xi32>
        %shift_left3A_561 = arith.shli %bitcast3A_553, %shift_left3A_560 : vector<16xi32>
        %bitcast3A_562 = vector.bitcast %shift_left3A_561 : vector<16xi32> to vector<16xf32>
        %and3A_563 = arith.andi %bitcast3A_558, %broadcast_in_dim3A_9 : vector<16xi32>
        %bitcast3A_564 = vector.bitcast %and3A_563 : vector<16xi32> to vector<16xf32>
        %mul3A_565 = arith.mulf %bitcast3A_562, %bitcast3A_564 : vector<16xf32>
        %add3A_566 = arith.addf %add3A_548, %mul3A_565 : vector<16xf32>
        %add3A_567 = arith.constant 25 : i32
        %add3A_568 = vector.broadcast %add3A_567 : i32 to vector<16xi32>
        %add3A_569 = arith.addi %mul3A_103, %add3A_568 : vector<16xi32>
        %gather3A_570 = tpu.vector_load_idx %arg10[%add3A_92, %add3A_569] : memref<256x128xf32, #tpu.memory_space<vmem>>[vector<16xi32>, vector<16xi32>], vector<16xf32>,
        %bitcast3A_571 = vector.bitcast %gather3A_570 : vector<16xf32> to vector<16xi32>
        %add3A_572 = arith.constant 25 : i32
        %add3A_573 = vector.broadcast %add3A_572 : i32 to vector<16xi32>
        %add3A_574 = arith.addi %mul3A_117, %add3A_573 : vector<16xi32>
        %gather3A_575 = tpu.vector_load_idx %arg11[%add3A_92, %add3A_574] : memref<256x128xf32, #tpu.memory_space<vmem>>[vector<16xi32>, vector<16xi32>], vector<16xf32>,
        %bitcast3A_576 = vector.bitcast %gather3A_575 : vector<16xf32> to vector<16xi32>
        %shift_left3A_577 = arith.constant 16 : i32
        %shift_left3A_578 = vector.broadcast %shift_left3A_577 : i32 to vector<16xi32>
        %shift_left3A_579 = arith.shli %bitcast3A_571, %shift_left3A_578 : vector<16xi32>
        %bitcast3A_580 = vector.bitcast %shift_left3A_579 : vector<16xi32> to vector<16xf32>
        %and3A_581 = arith.andi %bitcast3A_576, %broadcast_in_dim3A_9 : vector<16xi32>
        %bitcast3A_582 = vector.bitcast %and3A_581 : vector<16xi32> to vector<16xf32>
        %mul3A_583 = arith.mulf %bitcast3A_580, %bitcast3A_582 : vector<16xf32>
        %add3A_584 = arith.addf %add3A_566, %mul3A_583 : vector<16xf32>
        %add3A_585 = arith.constant 26 : i32
        %add3A_586 = vector.broadcast %add3A_585 : i32 to vector<16xi32>
        %add3A_587 = arith.addi %mul3A_103, %add3A_586 : vector<16xi32>
        %gather3A_588 = tpu.vector_load_idx %arg10[%add3A_92, %add3A_587] : memref<256x128xf32, #tpu.memory_space<vmem>>[vector<16xi32>, vector<16xi32>], vector<16xf32>,
        %bitcast3A_589 = vector.bitcast %gather3A_588 : vector<16xf32> to vector<16xi32>
        %add3A_590 = arith.constant 26 : i32
        %add3A_591 = vector.broadcast %add3A_590 : i32 to vector<16xi32>
        %add3A_592 = arith.addi %mul3A_117, %add3A_591 : vector<16xi32>
        %gather3A_593 = tpu.vector_load_idx %arg11[%add3A_92, %add3A_592] : memref<256x128xf32, #tpu.memory_space<vmem>>[vector<16xi32>, vector<16xi32>], vector<16xf32>,
        %bitcast3A_594 = vector.bitcast %gather3A_593 : vector<16xf32> to vector<16xi32>
        %shift_left3A_595 = arith.constant 16 : i32
        %shift_left3A_596 = vector.broadcast %shift_left3A_595 : i32 to vector<16xi32>
        %shift_left3A_597 = arith.shli %bitcast3A_589, %shift_left3A_596 : vector<16xi32>
        %bitcast3A_598 = vector.bitcast %shift_left3A_597 : vector<16xi32> to vector<16xf32>
        %and3A_599 = arith.andi %bitcast3A_594, %broadcast_in_dim3A_9 : vector<16xi32>
        %bitcast3A_600 = vector.bitcast %and3A_599 : vector<16xi32> to vector<16xf32>
        %mul3A_601 = arith.mulf %bitcast3A_598, %bitcast3A_600 : vector<16xf32>
        %add3A_602 = arith.addf %add3A_584, %mul3A_601 : vector<16xf32>
        %add3A_603 = arith.constant 27 : i32
        %add3A_604 = vector.broadcast %add3A_603 : i32 to vector<16xi32>
        %add3A_605 = arith.addi %mul3A_103, %add3A_604 : vector<16xi32>
        %gather3A_606 = tpu.vector_load_idx %arg10[%add3A_92, %add3A_605] : memref<256x128xf32, #tpu.memory_space<vmem>>[vector<16xi32>, vector<16xi32>], vector<16xf32>,
        %bitcast3A_607 = vector.bitcast %gather3A_606 : vector<16xf32> to vector<16xi32>
        %add3A_608 = arith.constant 27 : i32
        %add3A_609 = vector.broadcast %add3A_608 : i32 to vector<16xi32>
        %add3A_610 = arith.addi %mul3A_117, %add3A_609 : vector<16xi32>
        %gather3A_611 = tpu.vector_load_idx %arg11[%add3A_92, %add3A_610] : memref<256x128xf32, #tpu.memory_space<vmem>>[vector<16xi32>, vector<16xi32>], vector<16xf32>,
        %bitcast3A_612 = vector.bitcast %gather3A_611 : vector<16xf32> to vector<16xi32>
        %shift_left3A_613 = arith.constant 16 : i32
        %shift_left3A_614 = vector.broadcast %shift_left3A_613 : i32 to vector<16xi32>
        %shift_left3A_615 = arith.shli %bitcast3A_607, %shift_left3A_614 : vector<16xi32>
        %bitcast3A_616 = vector.bitcast %shift_left3A_615 : vector<16xi32> to vector<16xf32>
        %and3A_617 = arith.andi %bitcast3A_612, %broadcast_in_dim3A_9 : vector<16xi32>
        %bitcast3A_618 = vector.bitcast %and3A_617 : vector<16xi32> to vector<16xf32>
        %mul3A_619 = arith.mulf %bitcast3A_616, %bitcast3A_618 : vector<16xf32>
        %add3A_620 = arith.addf %add3A_602, %mul3A_619 : vector<16xf32>
        %add3A_621 = arith.constant 28 : i32
        %add3A_622 = vector.broadcast %add3A_621 : i32 to vector<16xi32>
        %add3A_623 = arith.addi %mul3A_103, %add3A_622 : vector<16xi32>
        %gather3A_624 = tpu.vector_load_idx %arg10[%add3A_92, %add3A_623] : memref<256x128xf32, #tpu.memory_space<vmem>>[vector<16xi32>, vector<16xi32>], vector<16xf32>,
        %bitcast3A_625 = vector.bitcast %gather3A_624 : vector<16xf32> to vector<16xi32>
        %add3A_626 = arith.constant 28 : i32
        %add3A_627 = vector.broadcast %add3A_626 : i32 to vector<16xi32>
        %add3A_628 = arith.addi %mul3A_117, %add3A_627 : vector<16xi32>
        %gather3A_629 = tpu.vector_load_idx %arg11[%add3A_92, %add3A_628] : memref<256x128xf32, #tpu.memory_space<vmem>>[vector<16xi32>, vector<16xi32>], vector<16xf32>,
        %bitcast3A_630 = vector.bitcast %gather3A_629 : vector<16xf32> to vector<16xi32>
        %shift_left3A_631 = arith.constant 16 : i32
        %shift_left3A_632 = vector.broadcast %shift_left3A_631 : i32 to vector<16xi32>
        %shift_left3A_633 = arith.shli %bitcast3A_625, %shift_left3A_632 : vector<16xi32>
        %bitcast3A_634 = vector.bitcast %shift_left3A_633 : vector<16xi32> to vector<16xf32>
        %and3A_635 = arith.andi %bitcast3A_630, %broadcast_in_dim3A_9 : vector<16xi32>
        %bitcast3A_636 = vector.bitcast %and3A_635 : vector<16xi32> to vector<16xf32>
        %mul3A_637 = arith.mulf %bitcast3A_634, %bitcast3A_636 : vector<16xf32>
        %add3A_638 = arith.addf %add3A_620, %mul3A_637 : vector<16xf32>
        %add3A_639 = arith.constant 29 : i32
        %add3A_640 = vector.broadcast %add3A_639 : i32 to vector<16xi32>
        %add3A_641 = arith.addi %mul3A_103, %add3A_640 : vector<16xi32>
        %gather3A_642 = tpu.vector_load_idx %arg10[%add3A_92, %add3A_641] : memref<256x128xf32, #tpu.memory_space<vmem>>[vector<16xi32>, vector<16xi32>], vector<16xf32>,
        %bitcast3A_643 = vector.bitcast %gather3A_642 : vector<16xf32> to vector<16xi32>
        %add3A_644 = arith.constant 29 : i32
        %add3A_645 = vector.broadcast %add3A_644 : i32 to vector<16xi32>
        %add3A_646 = arith.addi %mul3A_117, %add3A_645 : vector<16xi32>
        %gather3A_647 = tpu.vector_load_idx %arg11[%add3A_92, %add3A_646] : memref<256x128xf32, #tpu.memory_space<vmem>>[vector<16xi32>, vector<16xi32>], vector<16xf32>,
        %bitcast3A_648 = vector.bitcast %gather3A_647 : vector<16xf32> to vector<16xi32>
        %shift_left3A_649 = arith.constant 16 : i32
        %shift_left3A_650 = vector.broadcast %shift_left3A_649 : i32 to vector<16xi32>
        %shift_left3A_651 = arith.shli %bitcast3A_643, %shift_left3A_650 : vector<16xi32>
        %bitcast3A_652 = vector.bitcast %shift_left3A_651 : vector<16xi32> to vector<16xf32>
        %and3A_653 = arith.andi %bitcast3A_648, %broadcast_in_dim3A_9 : vector<16xi32>
        %bitcast3A_654 = vector.bitcast %and3A_653 : vector<16xi32> to vector<16xf32>
        %mul3A_655 = arith.mulf %bitcast3A_652, %bitcast3A_654 : vector<16xf32>
        %add3A_656 = arith.addf %add3A_638, %mul3A_655 : vector<16xf32>
        %add3A_657 = arith.constant 30 : i32
        %add3A_658 = vector.broadcast %add3A_657 : i32 to vector<16xi32>
        %add3A_659 = arith.addi %mul3A_103, %add3A_658 : vector<16xi32>
        %gather3A_660 = tpu.vector_load_idx %arg10[%add3A_92, %add3A_659] : memref<256x128xf32, #tpu.memory_space<vmem>>[vector<16xi32>, vector<16xi32>], vector<16xf32>,
        %bitcast3A_661 = vector.bitcast %gather3A_660 : vector<16xf32> to vector<16xi32>
        %add3A_662 = arith.constant 30 : i32
        %add3A_663 = vector.broadcast %add3A_662 : i32 to vector<16xi32>
        %add3A_664 = arith.addi %mul3A_117, %add3A_663 : vector<16xi32>
        %gather3A_665 = tpu.vector_load_idx %arg11[%add3A_92, %add3A_664] : memref<256x128xf32, #tpu.memory_space<vmem>>[vector<16xi32>, vector<16xi32>], vector<16xf32>,
        %bitcast3A_666 = vector.bitcast %gather3A_665 : vector<16xf32> to vector<16xi32>
        %shift_left3A_667 = arith.constant 16 : i32
        %shift_left3A_668 = vector.broadcast %shift_left3A_667 : i32 to vector<16xi32>
        %shift_left3A_669 = arith.shli %bitcast3A_661, %shift_left3A_668 : vector<16xi32>
        %bitcast3A_670 = vector.bitcast %shift_left3A_669 : vector<16xi32> to vector<16xf32>
        %and3A_671 = arith.andi %bitcast3A_666, %broadcast_in_dim3A_9 : vector<16xi32>
        %bitcast3A_672 = vector.bitcast %and3A_671 : vector<16xi32> to vector<16xf32>
        %mul3A_673 = arith.mulf %bitcast3A_670, %bitcast3A_672 : vector<16xf32>
        %add3A_674 = arith.addf %add3A_656, %mul3A_673 : vector<16xf32>
        %add3A_675 = arith.constant 31 : i32
        %add3A_676 = vector.broadcast %add3A_675 : i32 to vector<16xi32>
        %add3A_677 = arith.addi %mul3A_103, %add3A_676 : vector<16xi32>
        %gather3A_678 = tpu.vector_load_idx %arg10[%add3A_92, %add3A_677] : memref<256x128xf32, #tpu.memory_space<vmem>>[vector<16xi32>, vector<16xi32>], vector<16xf32>,
        %bitcast3A_679 = vector.bitcast %gather3A_678 : vector<16xf32> to vector<16xi32>
        %add3A_680 = arith.constant 31 : i32
        %add3A_681 = vector.broadcast %add3A_680 : i32 to vector<16xi32>
        %add3A_682 = arith.addi %mul3A_117, %add3A_681 : vector<16xi32>
        %gather3A_683 = tpu.vector_load_idx %arg11[%add3A_92, %add3A_682] : memref<256x128xf32, #tpu.memory_space<vmem>>[vector<16xi32>, vector<16xi32>], vector<16xf32>,
        %bitcast3A_684 = vector.bitcast %gather3A_683 : vector<16xf32> to vector<16xi32>
        %shift_left3A_685 = arith.constant 16 : i32
        %shift_left3A_686 = vector.broadcast %shift_left3A_685 : i32 to vector<16xi32>
        %shift_left3A_687 = arith.shli %bitcast3A_679, %shift_left3A_686 : vector<16xi32>
        %bitcast3A_688 = vector.bitcast %shift_left3A_687 : vector<16xi32> to vector<16xf32>
        %and3A_689 = arith.andi %bitcast3A_684, %broadcast_in_dim3A_9 : vector<16xi32>
        %bitcast3A_690 = vector.bitcast %and3A_689 : vector<16xi32> to vector<16xf32>
        %mul3A_691 = arith.mulf %bitcast3A_688, %bitcast3A_690 : vector<16xf32>
        %add3A_692 = arith.addf %add3A_674, %mul3A_691 : vector<16xf32>
        %mul3A_693 = arith.constant 16 : i32
        %mul3A_694 = arith.muli %scan3A_87, %mul3A_693 : i32
        %add3A_695 = arith.addi %mul3A_20, %mul3A_694 : i32
        %swap3A = arith.index_cast %add3A_695 : i32 to index
        %swap3A_696 = tpu.vector_load %arg12[%swap3A] {strides = array<i32>} : memref<512xf32, #tpu.memory_space<vmem>>, vector<16xf32>,
        tpu.vector_store %arg12[%swap3A], %add3A_692 {strides = array<i32>} : memref<512xf32, #tpu.memory_space<vmem>>, vector<16xf32>,
        %scan3A_697 = arith.constant 0 : i32
        scf.yield %scan3A_697 : i32
      }
      %scan3A_85 = arith.constant 16 : i32
      %scan3A_86 = arith.constant 0 : i32
      scf.yield %scan3A_86 : i32
    }
    %scan3A_16 = arith.constant 2 : i32
    "tpu.region"() ({
      %run_scoped3A = tpu.sem_alloc : memref<!tpu.dma_semaphore, #tpu.memory_space<semaphore_mem>>
      %dma_start3A = tpu.memref_slice %arg5[%mul3A_2] : memref<16384xf32, #tpu.memory_space<hbm>> -> memref<512xf32, #tpu.memory_space<hbm>>
      %dma_start3A_17 = tpu.memref_slice %arg5[%mul3A_2] : memref<16384xf32, #tpu.memory_space<hbm>> -> memref<512xf32, #tpu.memory_space<hbm>>
      tpu.enqueue_dma source(%arg12 : memref<512xf32, #tpu.memory_space<vmem>>) target(%dma_start3A_17 : memref<512xf32, #tpu.memory_space<hbm>>) target_semaphore(%run_scoped3A : memref<!tpu.dma_semaphore, #tpu.memory_space<semaphore_mem>>)
      %dma_wait3A = tpu.memref_slice %arg5[%mul3A_2] : memref<16384xf32, #tpu.memory_space<hbm>> -> memref<512xf32, #tpu.memory_space<hbm>>
      %dma_wait3A_18 = tpu.memref_slice %arg5[%mul3A_2] : memref<16384xf32, #tpu.memory_space<hbm>> -> memref<512xf32, #tpu.memory_space<hbm>>
      tpu.wait_dma2 semaphore(%run_scoped3A : memref<!tpu.dma_semaphore, #tpu.memory_space<semaphore_mem>>) src(%arg12 : memref<512xf32, #tpu.memory_space<vmem>>) dst(%dma_wait3A_18 : memref<512xf32, #tpu.memory_space<hbm>>)
      tpu.yield
    }) : () -> ()
    return
  }
}

module attributes {stable_mosaic.version = 14 : i64} {
  func.func @_pack_body(%arg0: i32, %arg1: memref<32x16384xf32, #tpu.memory_space<vmem>>, %arg2: memref<32x16384xf32, #tpu.memory_space<vmem>>, %arg3: memref<4096x128xf32, #tpu.memory_space<vmem>>) attributes {dimension_semantics = [#tpu.dimension_semantics<arbitrary>], iteration_bounds = array<i64: 62>, scalar_prefetch = 0 : i64, scratch_operands = 0 : i64, tpu.core_type = #tpu.core_type<tc>, window_params = [{transform_indices = @transform_0, window_bounds = array<i64: 32, 16384>}, {transform_indices = @transform_1, window_bounds = array<i64: 32, 16384>}, {transform_indices = @transform_2, window_bounds = array<i64: 4096, 128>}]} {
    %iota3A = tpu.iota {dimensions = array<i32: 0>} : vector<32x32xi32>
    %iota3A_0 = tpu.iota {dimensions = array<i32: 1>} : vector<32x32xi32>
    %eq3A = arith.cmpi eq, %iota3A, %iota3A_0 : vector<32x32xi32>
    %jit3A = arith.constant 1.000000e+00 : f32
    %jit3A_1 = arith.constant 0.000000e+00 : f32
    %broadcast_in_dim3A = vector.broadcast %jit3A : f32 to vector<32x32xf32>
    %broadcast_in_dim3A_2 = vector.broadcast %jit3A_1 : f32 to vector<32x32xf32>
    %select_n3A = arith.select %eq3A, %broadcast_in_dim3A, %broadcast_in_dim3A_2 : vector<32x32xi1>, vector<32x32xf32>
    %get3A = arith.constant 0 : index
    %get3A_3 = arith.constant 0 : index
    %get3A_4 = vector.load %arg1[%get3A, %get3A_3] : memref<32x16384xf32, #tpu.memory_space<vmem>>, vector<32x16384xf32>
    %get3A_5 = arith.constant 0 : index
    %get3A_6 = arith.constant 0 : index
    %get3A_7 = vector.load %arg2[%get3A_5, %get3A_6] : memref<32x16384xf32, #tpu.memory_space<vmem>>, vector<32x16384xf32>
    %slice3A = vector.extract_strided_slice %get3A_4 {offsets = [0, 0], sizes = [32, 4096], strides = [1, 1]} : vector<32x16384xf32> to vector<32x4096xf32>
    %slice3A_8 = vector.extract_strided_slice %get3A_7 {offsets = [0, 0], sizes = [32, 4096], strides = [1, 1]} : vector<32x16384xf32> to vector<32x4096xf32>
    %dot_general3A = arith.constant dense<0.000000e+00> : vector<4096x32xf32>
    %dot_general3A_9 = tpu.matmul %slice3A, %select_n3A, %dot_general3A {dimension_numbers = #tpu.dot_dimension_numbers<[0], [0], [1], [1], [0, 1, 1, 1], [], []>, transpose_lhs_hint = false} : vector<32x4096xf32>, vector<32x32xf32>, vector<4096x32xf32> -> vector<4096x32xf32>
    %dot_general3A_10 = arith.constant dense<0.000000e+00> : vector<4096x32xf32>
    %dot_general3A_11 = tpu.matmul %slice3A_8, %select_n3A, %dot_general3A_10 {dimension_numbers = #tpu.dot_dimension_numbers<[0], [0], [1], [1], [0, 1, 1, 1], [], []>, transpose_lhs_hint = false} : vector<32x4096xf32>, vector<32x32xf32>, vector<4096x32xf32> -> vector<4096x32xf32>
    %convert_element_type3A = arith.truncf %dot_general3A_9 : vector<4096x32xf32> to vector<4096x32xbf16>
    %bitcast_convert_type3A = tpu.bitcast %convert_element_type3A : vector<4096x32xbf16> -> vector<4096x32xi16>
    %convert_element_type3A_12 = arith.extui %bitcast_convert_type3A : vector<4096x32xi16> to vector<4096x32xi32>
    %convert_element_type3A_13 = arith.truncf %dot_general3A_11 : vector<4096x32xf32> to vector<4096x32xbf16>
    %bitcast_convert_type3A_14 = tpu.bitcast %convert_element_type3A_13 : vector<4096x32xbf16> -> vector<4096x32xi16>
    %convert_element_type3A_15 = arith.extui %bitcast_convert_type3A_14 : vector<4096x32xi16> to vector<4096x32xi32>
    %shift_left3A = arith.constant 16 : i32
    %shift_left3A_16 = vector.broadcast %shift_left3A : i32 to vector<4096x32xi32>
    %shift_left3A_17 = arith.shli %convert_element_type3A_15, %shift_left3A_16 : vector<4096x32xi32>
    %or3A = arith.ori %convert_element_type3A_12, %shift_left3A_17 : vector<4096x32xi32>
    %bitcast_convert_type3A_18 = tpu.bitcast %or3A : vector<4096x32xi32> -> vector<4096x32xf32>
    %swap3A = arith.constant 0 : index
    %swap3A_19 = arith.constant 0 : index
    %swap3A_20 = vector.load %arg3[%swap3A, %swap3A_19] : memref<4096x128xf32, #tpu.memory_space<vmem>>, vector<4096x32xf32>
    tpu.vector_store %arg3[%swap3A, %swap3A_19], %bitcast_convert_type3A_18 {strides = array<i32>} : memref<4096x128xf32, #tpu.memory_space<vmem>>, vector<4096x32xf32>,
    %slice3A_21 = vector.extract_strided_slice %get3A_4 {offsets = [0, 4096], sizes = [32, 4096], strides = [1, 1]} : vector<32x16384xf32> to vector<32x4096xf32>
    %slice3A_22 = vector.extract_strided_slice %get3A_7 {offsets = [0, 4096], sizes = [32, 4096], strides = [1, 1]} : vector<32x16384xf32> to vector<32x4096xf32>
    %dot_general3A_23 = arith.constant dense<0.000000e+00> : vector<4096x32xf32>
    %dot_general3A_24 = tpu.matmul %slice3A_21, %select_n3A, %dot_general3A_23 {dimension_numbers = #tpu.dot_dimension_numbers<[0], [0], [1], [1], [0, 1, 1, 1], [], []>, transpose_lhs_hint = false} : vector<32x4096xf32>, vector<32x32xf32>, vector<4096x32xf32> -> vector<4096x32xf32>
    %dot_general3A_25 = arith.constant dense<0.000000e+00> : vector<4096x32xf32>
    %dot_general3A_26 = tpu.matmul %slice3A_22, %select_n3A, %dot_general3A_25 {dimension_numbers = #tpu.dot_dimension_numbers<[0], [0], [1], [1], [0, 1, 1, 1], [], []>, transpose_lhs_hint = false} : vector<32x4096xf32>, vector<32x32xf32>, vector<4096x32xf32> -> vector<4096x32xf32>
    %convert_element_type3A_27 = arith.truncf %dot_general3A_24 : vector<4096x32xf32> to vector<4096x32xbf16>
    %bitcast_convert_type3A_28 = tpu.bitcast %convert_element_type3A_27 : vector<4096x32xbf16> -> vector<4096x32xi16>
    %convert_element_type3A_29 = arith.extui %bitcast_convert_type3A_28 : vector<4096x32xi16> to vector<4096x32xi32>
    %convert_element_type3A_30 = arith.truncf %dot_general3A_26 : vector<4096x32xf32> to vector<4096x32xbf16>
    %bitcast_convert_type3A_31 = tpu.bitcast %convert_element_type3A_30 : vector<4096x32xbf16> -> vector<4096x32xi16>
    %convert_element_type3A_32 = arith.extui %bitcast_convert_type3A_31 : vector<4096x32xi16> to vector<4096x32xi32>
    %shift_left3A_33 = arith.constant 16 : i32
    %shift_left3A_34 = vector.broadcast %shift_left3A_33 : i32 to vector<4096x32xi32>
    %shift_left3A_35 = arith.shli %convert_element_type3A_32, %shift_left3A_34 : vector<4096x32xi32>
    %or3A_36 = arith.ori %convert_element_type3A_29, %shift_left3A_35 : vector<4096x32xi32>
    %bitcast_convert_type3A_37 = tpu.bitcast %or3A_36 : vector<4096x32xi32> -> vector<4096x32xf32>
    %swap3A_38 = arith.constant 0 : index
    %swap3A_39 = arith.constant 32 : index
    %swap3A_40 = vector.load %arg3[%swap3A_38, %swap3A_39] : memref<4096x128xf32, #tpu.memory_space<vmem>>, vector<4096x32xf32>
    tpu.vector_store %arg3[%swap3A_38, %swap3A_39], %bitcast_convert_type3A_37 {strides = array<i32>} : memref<4096x128xf32, #tpu.memory_space<vmem>>, vector<4096x32xf32>,
    %slice3A_41 = vector.extract_strided_slice %get3A_4 {offsets = [0, 8192], sizes = [32, 4096], strides = [1, 1]} : vector<32x16384xf32> to vector<32x4096xf32>
    %slice3A_42 = vector.extract_strided_slice %get3A_7 {offsets = [0, 8192], sizes = [32, 4096], strides = [1, 1]} : vector<32x16384xf32> to vector<32x4096xf32>
    %dot_general3A_43 = arith.constant dense<0.000000e+00> : vector<4096x32xf32>
    %dot_general3A_44 = tpu.matmul %slice3A_41, %select_n3A, %dot_general3A_43 {dimension_numbers = #tpu.dot_dimension_numbers<[0], [0], [1], [1], [0, 1, 1, 1], [], []>, transpose_lhs_hint = false} : vector<32x4096xf32>, vector<32x32xf32>, vector<4096x32xf32> -> vector<4096x32xf32>
    %dot_general3A_45 = arith.constant dense<0.000000e+00> : vector<4096x32xf32>
    %dot_general3A_46 = tpu.matmul %slice3A_42, %select_n3A, %dot_general3A_45 {dimension_numbers = #tpu.dot_dimension_numbers<[0], [0], [1], [1], [0, 1, 1, 1], [], []>, transpose_lhs_hint = false} : vector<32x4096xf32>, vector<32x32xf32>, vector<4096x32xf32> -> vector<4096x32xf32>
    %convert_element_type3A_47 = arith.truncf %dot_general3A_44 : vector<4096x32xf32> to vector<4096x32xbf16>
    %bitcast_convert_type3A_48 = tpu.bitcast %convert_element_type3A_47 : vector<4096x32xbf16> -> vector<4096x32xi16>
    %convert_element_type3A_49 = arith.extui %bitcast_convert_type3A_48 : vector<4096x32xi16> to vector<4096x32xi32>
    %convert_element_type3A_50 = arith.truncf %dot_general3A_46 : vector<4096x32xf32> to vector<4096x32xbf16>
    %bitcast_convert_type3A_51 = tpu.bitcast %convert_element_type3A_50 : vector<4096x32xbf16> -> vector<4096x32xi16>
    %convert_element_type3A_52 = arith.extui %bitcast_convert_type3A_51 : vector<4096x32xi16> to vector<4096x32xi32>
    %shift_left3A_53 = arith.constant 16 : i32
    %shift_left3A_54 = vector.broadcast %shift_left3A_53 : i32 to vector<4096x32xi32>
    %shift_left3A_55 = arith.shli %convert_element_type3A_52, %shift_left3A_54 : vector<4096x32xi32>
    %or3A_56 = arith.ori %convert_element_type3A_49, %shift_left3A_55 : vector<4096x32xi32>
    %bitcast_convert_type3A_57 = tpu.bitcast %or3A_56 : vector<4096x32xi32> -> vector<4096x32xf32>
    %swap3A_58 = arith.constant 0 : index
    %swap3A_59 = arith.constant 64 : index
    %swap3A_60 = vector.load %arg3[%swap3A_58, %swap3A_59] : memref<4096x128xf32, #tpu.memory_space<vmem>>, vector<4096x32xf32>
    tpu.vector_store %arg3[%swap3A_58, %swap3A_59], %bitcast_convert_type3A_57 {strides = array<i32>} : memref<4096x128xf32, #tpu.memory_space<vmem>>, vector<4096x32xf32>,
    %slice3A_61 = vector.extract_strided_slice %get3A_4 {offsets = [0, 12288], sizes = [32, 4096], strides = [1, 1]} : vector<32x16384xf32> to vector<32x4096xf32>
    %slice3A_62 = vector.extract_strided_slice %get3A_7 {offsets = [0, 12288], sizes = [32, 4096], strides = [1, 1]} : vector<32x16384xf32> to vector<32x4096xf32>
    %dot_general3A_63 = arith.constant dense<0.000000e+00> : vector<4096x32xf32>
    %dot_general3A_64 = tpu.matmul %slice3A_61, %select_n3A, %dot_general3A_63 {dimension_numbers = #tpu.dot_dimension_numbers<[0], [0], [1], [1], [0, 1, 1, 1], [], []>, transpose_lhs_hint = false} : vector<32x4096xf32>, vector<32x32xf32>, vector<4096x32xf32> -> vector<4096x32xf32>
    %dot_general3A_65 = arith.constant dense<0.000000e+00> : vector<4096x32xf32>
    %dot_general3A_66 = tpu.matmul %slice3A_62, %select_n3A, %dot_general3A_65 {dimension_numbers = #tpu.dot_dimension_numbers<[0], [0], [1], [1], [0, 1, 1, 1], [], []>, transpose_lhs_hint = false} : vector<32x4096xf32>, vector<32x32xf32>, vector<4096x32xf32> -> vector<4096x32xf32>
    %convert_element_type3A_67 = arith.truncf %dot_general3A_64 : vector<4096x32xf32> to vector<4096x32xbf16>
    %bitcast_convert_type3A_68 = tpu.bitcast %convert_element_type3A_67 : vector<4096x32xbf16> -> vector<4096x32xi16>
    %convert_element_type3A_69 = arith.extui %bitcast_convert_type3A_68 : vector<4096x32xi16> to vector<4096x32xi32>
    %convert_element_type3A_70 = arith.truncf %dot_general3A_66 : vector<4096x32xf32> to vector<4096x32xbf16>
    %bitcast_convert_type3A_71 = tpu.bitcast %convert_element_type3A_70 : vector<4096x32xbf16> -> vector<4096x32xi16>
    %convert_element_type3A_72 = arith.extui %bitcast_convert_type3A_71 : vector<4096x32xi16> to vector<4096x32xi32>
    %shift_left3A_73 = arith.constant 16 : i32
    %shift_left3A_74 = vector.broadcast %shift_left3A_73 : i32 to vector<4096x32xi32>
    %shift_left3A_75 = arith.shli %convert_element_type3A_72, %shift_left3A_74 : vector<4096x32xi32>
    %or3A_76 = arith.ori %convert_element_type3A_69, %shift_left3A_75 : vector<4096x32xi32>
    %bitcast_convert_type3A_77 = tpu.bitcast %or3A_76 : vector<4096x32xi32> -> vector<4096x32xf32>
    %swap3A_78 = arith.constant 0 : index
    %swap3A_79 = arith.constant 96 : index
    %swap3A_80 = vector.load %arg3[%swap3A_78, %swap3A_79] : memref<4096x128xf32, #tpu.memory_space<vmem>>, vector<4096x32xf32>
    tpu.vector_store %arg3[%swap3A_78, %swap3A_79], %bitcast_convert_type3A_77 {strides = array<i32>} : memref<4096x128xf32, #tpu.memory_space<vmem>>, vector<4096x32xf32>,
    return
  }
  func.func @transform_0(%arg0: i32) -> (i32, i32) {
    %c0_i32 = arith.constant 0 : i32
    %c0_i32_0 = arith.constant 0 : i32
    return %c0_i32, %arg0 : i32, i32
  }
  func.func @transform_1(%arg0: i32) -> (i32, i32) {
    %c0_i32 = arith.constant 0 : i32
    %c0_i32_0 = arith.constant 0 : i32
    return %c0_i32, %arg0 : i32, i32
  }
  func.func @transform_2(%arg0: i32) -> (i32, i32) {
    %c0_i32 = arith.constant 0 : i32
    %c0_i32_0 = arith.constant 0 : i32
    return %arg0, %c0_i32 : i32, i32
  }
}

</mosaic_0001>

<sc_bundles>
// kernel: kernel.4.cloned.1.call-start
scs
__scs_entry_jumppad:
0x0: {  	(pc) =	sbr.rel $0x88, $3  }
0x1: {  	(tag) =	ssettag $0x0;
	lr =	simm.s32 $0x1  }
0x2: {  	[smem:$0x3F9D] =	sst lr;
	_ =	strace $0xD0000000  }
0x3: {  	_ = 	snop  }
0x4: {  	_ = 	snop  }
0x5: {  	_ = 	snop  }
0x6: {  	_ = 	snop  }
0x7: {  	_ = 	snop  }
__scs_overlays_trampoline_lowered:
0x8: {  	[smem:$0x3FAC] =	sst s0  }
0x9: {  	[smem:$0x3FAD] =	sst s1  }
0xa: {  	[smem:$0x3FAE] =	sst s2  }
0xb: {  	[smem:$0x3FAF] =	sst s3  }
0xc: {  	[smem:$0x3FB0] =	sst s4  }
0xd: {  	[smem:$0x3FB1] =	sst s5  }
0xe: {  	[smem:$0x3FB2] =	sst s6  }
0xf: {  	[smem:$0x3FB3] =	sst s7  }
0x10: {  	[smem:$0x3FB4] =	sst s8  }
0x11: {  	[smem:$0x3FB5] =	sst s9;
	s0 =	simm.s32 @!p0 $0x0  }
0x12: {  	s1 =	sld [smem:$0x3F9B];
	s0 =	simm.s32 @p0 $0x1  }
0x13: {  	[smem:$0x3FB6] =	sst s0;
	s0 =	simm.s32 @!p1 $0x0  }
0x14: {  	s2 =	sld [smem:$0x3F9A];
	s0 =	simm.s32 @p1 $0x1  }
0x15: {  	[smem:$0x3FB7] =	sst s0;
	s0 =	simm.s32 @!p2 $0x0  }
0x16: {  	s3 =	sld [smem:$0x3FDB];
	s0 =	simm.s32 @p2 $0x1  }
0x17: {  	s4 =	simm.s32 $0x1BF5;
	[smem:$0x3FB9] =	sst s0  }
0x18: {  	s0 =	sld [smem:$0x3F9C];
	_ =	swait.ge [sflag:s4], $0x0  }
0x19: {  	s7 =	sld [smem:$0x3F9D]  }
0x1a: {  	s8 =	sadd.s32 $0xFFFFE003, lr  }
0x1b: {  	s9 =	sadd.s32 $0xFFFFFEF7, lr;
	s5 =	simm.s32 $0xFFFFFFFF;
	p2 =	slt.u32 s8, $0xFFFFF086  }
0x1c: {  	p1 =	slt.u32 s9, $0xF7A;
	s5 =	simm.s32 @!p2 $0x0  }
0x1d: {  	s5 =	simm.s32 @p1 $0x1;
	p0 =	seq.s32 s7, s2  }
0x1e: {  	s7 =	smul.u32 @!p0 $0xF7A, s2;
	p2 =	seq.s32 @!p0 s5, $0x0  }
0x1f: {  	s9 =	smul.u32 $0xF7A, s1;
	s8 =	simm.s32 @!p0 $0x1BF5;
	p2 =	por !p2, p0  }
0x20: {  	[sflag:s8] =	ssyncset.s32 @!p0 $0xFFFFF086;
	s6 =	sadd.s32 @!p0 s3, s7;
	s7 =	simm.s32 @!p0 $0x108  }
0x21: {  	s3 =	sadd.s32 s3, s9;
	s6 =	sadd.s32 @!p0 $0x88, s6;
	s7 =	simm.s32 @p2 $0x1082  }
0x22: {  	[simem:s7], [sflag:s8] =	dma.local @!p0 [hbm:s6], $0xF7A  }
0x23: {  	s9 =	sor.u32 $0xD0000000, s2;
	s6 =	simm.s32 $0x108;
	_ =	swait.ge @!p0 [sflag:s8], $0x0  }
0x24: {  	s3 =	sadd.s32 $0x88, s3;
	s6 =	simm.s32 @!p1 $0x1082;
	[sflag:s4] =	ssyncset.s32 $0xFFFFF086  }
0x25: {  	[simem:s6], [sflag:s4] =	dma.local [hbm:s3], $0xF7A  }
0x26: {  	[smem:$0x3F9D] =	sst s1;
	(tag) =	ssettag s2;
	_ =	strace s9  }
0x27: {  	s1 =	sld [smem:$0x3FAD]  }
0x28: {  	s2 =	sld [smem:$0x3FAE]  }
0x29: {  	s4 =	sld [smem:$0x3FB0]  }
0x2a: {  	p0 =	seq.s32 s5, $0x0;
	s5 =	sld [smem:$0x3FB1]  }
0x2b: {  	s6 =	sld [smem:$0x3FB2]  }
0x2c: {  	s7 =	sld [smem:$0x3FB3]  }
0x2d: {  	s3 =	simm.s32 $0x108;
	s8 =	sld [smem:$0x3FB4]  }
0x2e: {  	s3 =	simm.s32 @!p0 $0x1082;
	s9 =	sld [smem:$0x3FB5]  }
0x2f: {  	lr =	sadd.s32 s0, s3;
	s0 =	sld [smem:$0x3FAC]  }
0x30: {  	s3 =	sld [smem:$0x3FAF]  }
0x31: {  	[smem:$0x3FB8] =	sst s10  }
0x32: {  	s10 =	sld [smem:$0x3FB6];
	_ =	sdelay $0x3  }
0x33: {  	p0 =	seq.s32 s10, $0x1;
	s10 =	sld [smem:$0x3FB8];
	_ =	sdelay $0x3  }
0x34: {  	[smem:$0x3FB8] =	sst s10  }
0x35: {  	s10 =	sld [smem:$0x3FB7];
	_ =	sdelay $0x3  }
0x36: {  	p1 =	seq.s32 s10, $0x1;
	s10 =	sld [smem:$0x3FB8];
	_ =	sdelay $0x3  }
0x37: {  	[smem:$0x3FB8] =	sst s10  }
0x38: {  	s10 =	sld [smem:$0x3FB9]  }
0x39: {  	_ = 	snop;
	(pc) =	sbr.ind lr, $3  }
0x3a: {  	_ = 	snop  }
0x3b: {  	_ = 	snop  }
0x3c: {  	p2 =	seq.s32 s10, $0x1;
	s10 =	sld [smem:$0x3FB8]  }
0x3d: {  	_ =	shalt  }
0x3e: {  	_ =	shalt  }
0x3f: {  	_ =	shalt  }
0x40: {  	_ =	shalt  }
0x41: {  	_ =	shalt  }
0x42: {  	_ =	shalt  }
0x43: {  	_ =	shalt  }
0x44: {  	_ =	shalt  }
0x45: {  	_ =	shalt  }
0x46: {  	_ =	shalt  }
0x47: {  	_ =	shalt  }
0x48: {  	_ =	shalt  }
0x49: {  	_ =	shalt  }
0x4a: {  	_ =	shalt  }
0x4b: {  	_ =	shalt  }
0x4c: {  	_ =	shalt  }
0x4d: {  	_ =	shalt  }
0x4e: {  	_ =	shalt  }
0x4f: {  	_ =	shalt  }
0x50: {  	_ =	shalt  }
0x51: {  	_ =	shalt  }
0x52: {  	_ =	shalt  }
0x53: {  	_ =	shalt  }
0x54: {  	_ =	shalt  }
0x55: {  	_ =	shalt  }
0x56: {  	_ =	shalt  }
0x57: {  	_ =	shalt  }
0x58: {  	_ =	shalt  }
0x59: {  	_ =	shalt  }
0x5a: {  	_ =	shalt  }
0x5b: {  	_ =	shalt  }
0x5c: {  	_ =	shalt  }
0x5d: {  	_ =	shalt  }
0x5e: {  	_ =	shalt  }
0x5f: {  	_ =	shalt  }
0x60: {  	_ =	shalt  }
0x61: {  	_ =	shalt  }
0x62: {  	_ =	shalt  }
0x63: {  	_ =	shalt  }
0x64: {  	_ =	shalt  }
0x65: {  	_ =	shalt  }
0x66: {  	_ =	shalt  }
0x67: {  	_ =	shalt  }
0x68: {  	_ =	shalt  }
0x69: {  	_ =	shalt  }
0x6a: {  	_ =	shalt  }
0x6b: {  	_ =	shalt  }
0x6c: {  	_ =	shalt  }
0x6d: {  	_ =	shalt  }
0x6e: {  	_ =	shalt  }
0x6f: {  	_ =	shalt  }
0x70: {  	_ =	shalt  }
0x71: {  	_ =	shalt  }
0x72: {  	_ =	shalt  }
0x73: {  	_ =	shalt  }
0x74: {  	_ =	shalt  }
0x75: {  	_ =	shalt  }
0x76: {  	_ =	shalt  }
0x77: {  	_ =	shalt  }
0x78: {  	_ =	shalt  }
0x79: {  	_ =	shalt  }
0x7a: {  	_ =	shalt  }
0x7b: {  	_ =	shalt  }
0x7c: {  	_ =	shalt  }
0x7d: {  	_ =	shalt  }
0x7e: {  	_ =	shalt  }
0x7f: {  	_ =	shalt  }
0x80: {  	_ =	shalt  }
0x81: {  	_ =	shalt  }
0x82: {  	_ =	shalt  }
0x83: {  	_ =	shalt  }
0x84: {  	_ =	shalt  }
0x85: {  	_ =	shalt  }
0x86: {  	_ =	shalt  }
0x87: {  	_ =	shalt  }
.Lfunc_end0:
.L_simem_size_0:
called_computation_lowered:
.L_overlay_start_0:
0x88: {  	s2 =	sld [smem:$0x3FD9]  }
0x89: {  	s3 =	sld [smem:$0x3FFE];
	_ =	sdelay $0x1  }
0x8a: {  	s1 =	srdreg.scid  }
0x8b: {  	s0 =	sand.u32 $0x1, s1  }
0x8c: {  	s17 =	sshll.u32 s0, $0xA;
	s2 =	sadd.s32 s3, s2  }
0x8d: {  	s2 =	sadd.s32 s2, s17  }
0x8e: {  	[smem:$0x3FC4] =	sst s2  }
0x8f: {  	_ = 	snop  }
0x90: {  	s2 =	sld [smem:$0x3FC7]  }
0x91: {  	s18 =	sld [smem:$0x3FC6]  }
0x92: {  	s4 =	sld [smem:$0x3FD0];
	(tm) =	ssettm $0x1  }
0x93: {  	s5 =	sld [smem:$0x3FFB];
	_ =	sdelay $0x3  }
0x94: {  	_ =	strace s5  }
0x95: {  	s5 =	sld [smem:$0x3FFC];
	_ =	sdelay $0x3  }
0x96: {  	_ =	strace s5  }
0x97: {  	s5 =	sld [smem:$0x3FFD];
	_ =	sdelay $0x3  }
0x98: {  	_ =	strace s5  }
0x99: {  	_ =	strace $0x8FFFFFFF  }
0x9a: {  	s19 =	sld [smem:$0x3FDB];
	_ =	sdelay $0x1  }
0x9b: {  	s6 =	simm.s32 $_scs_section_size  }
0x9c: {  	s7 =	simm.s32 $_size__tile_overlayer_lowered;
	s8 =	simm.s32 $_tile_overlayer_lowered  }
0x9d: {  	s22 =	simm.s32 $0x1BFF;
	s21 =	sshll.u32 s8, $0x1;
	s5 =	sadd.s32 s6, s19  }
0x9e: {  	s9 =	simm.s32 $0x0;
	s20 =	sshll.u32 s7, $0x1;
	s7 =	sadd.s32 s21, s5  }
0x9f: {  	[timem:s9], [sflag:s22] =	dma.local [hbm:s7], s20  }
0xa0: {  	_ =	swait.ge [sflag:s22], s20  }
0xa1: {  	s6 =	ssub.s32 $0x0, s20;
	[sflag:s22] =	ssyncset.done $0x0  }
0xa2: {  	[sflag:s22] =	ssyncadd.s32 s6;
	_ =	sdelay $0x1  }
0xa3: {  	s23 =	simm.s32 $0x1B8B  }
0xa4: {  	_ =	swait.ge [sflag:s23], $0x1  }
0xa5: {  	[sflag:s23] =	ssyncset.done $0x0  }
0xa6: {  	s25 =	simm.s32 $0x1B8E;
	s24 =	sld [smem:$0x3FFE];
	[sflag:s23] =	ssyncadd.s32 $0xFFFFFFFF  }
0xa7: {  	s26 =	simm.s32 $execute0_lowered;
	[smem:$0x3FD2] =	sst s25  }
0xa8: {  	s7 =	sshll.u32 s26, $0x1;
	_ =	strace $0x80000046;
	[dreg:$0x1] =	wrdreg $0xFFFFFFFF  }
0xa9: {  	s28 =	simm.s32 $_size_execute0_lowered;
	s5 =	sadd.s32 s5, s7;
	[dreg:$0x0] =	wrdreg $0x0  }
0xaa: {  	s7 =	sshll.u32 s28, $0x1;
	[dreg:$0x2] =	wrdreg s5  }
0xab: {  	[dreg:$0x3] =	wrdreg s7  }
0xac: {  	[dreg:$0x4] =	wrdreg $0xC0  }
0xad: {  	_ =	task [dreg:s9], $0x5FFFF  }
0xae: {  	[dreg:$0x1] =	wrdreg $0xFFFFFFFF  }
0xaf: {  	[dreg:$0x0] =	wrdreg $0x60  }
0xb0: {  	[dreg:$0x2] =	wrdreg s24  }
0xb1: {  	[dreg:$0x3] =	wrdreg s2  }
0xb2: {  	[dreg:$0x4] =	wrdreg s18  }
0xb3: {  	[dreg:$0x5] =	wrdreg s4  }
0xb4: {  	[dreg:$0x6] =	wrdreg $0x9  }
0xb5: {  	_ =	task.clear_ibuf [dreg:s9], $0x7FFFF;
	_ =	strace $0x90000046  }
0xb6: {  	s29 =	simm.s32 $0x9;
	_ =	strace $0x80000048  }
0xb7: {  	_ =	swait.ge [sflag:s29], $0x1  }
0xb8: {  	[sflag:s29] =	ssyncadd.s32 $0xFFFFFFFF  }
0xb9: {  	_ =	strace $0x90000048  }
0xba: {  	_ =	sfence  }
0xbb: {  	s30 =	sld [smem:$0x0];
	_ =	sdelay $0x2  }
0xbc: {  	s31 =	sshll.u32 s1, $0xD;
	s1 =	sshrl.u32 s1, $0x2  }
0xbd: {  	s3 =	sand.u32 $0x4000, s31;
	s1 =	sadd.s32 s1, s30  }
0xbe: {  	s0 =	sor.u32 s3, s0;
	s1 =	sshll.u32 s1, $0x11  }
0xbf: {  	s0 =	sor.u32 s1, s0  }
0xc0: {  	s0 =	sadd.s32 $0x8F2B, s0  }
0xc1: {  	[sflag:s0] =	ssyncadd.remote.s32 $0x1  }
0xc2: {  	_ =	sfence.sel $0xFFFF  }
0xc3: {  	[dreg:$0x0] =	wrdreg $0xFFFFFFFF;
	(pc) =	sbr.abs _section_cstart, $3  }
0xc4: {  	[dreg:$0x1] =	wrdreg $0xFFFFFFFF  }
0xc5: {  	_ =	task.clear_ibuf [dreg:s9], $0x2FFFF;
	_ =	strace $0x9FFFFFFF  }
0xc6: {  	(tm) =	ssettm $0x7FFFFFFF  }
0xc7: {  	_ =	shalt  }
tec
execute0_lowered:
.L_overlay_start_1:
0x0: {  	(tag) =	ssettag $0x1  }
0x1: {  	s3 =	rddreg [dreg:$0x0]  }
0x2: {  	s4 =	rddreg [dreg:$0x1]  }
0x3: {  	s5 =	rddreg [dreg:$0x2]  }
0x4: {  	s6 =	rddreg [dreg:$0x3]  }
0x5: {  	s0 =	rddreg [dreg:$0x4]  }
0x6: {  	s2 =	simm.s32 $0x0;
	s7 =	srdreg.scid;
	s1 =	stileid.u32  }
0x7: {  	s11 =	simm.s32 $0x800;
	s12 =	simm.s32 $0x8800;
	s13 =	simm.s32 $0x4800  }
0x8: {  	s14 =	simm.s32 $0xC800;
	s15 =	simm.s32 $0x1;
	s16 =	simm.s32 $0x10800  }
0x9: {  	s17 =	simm.s32 $0x0;
	[smem:$0x7FF] =	sst s2;
	s7 =	sand.u32 $0x1, s7  }
0xa: {  	s9 =	sshll.u32 s1, $0x7;
	s3 =	sadd.s32 $0x400, s3;
	s8 =	ssub.s32 $0x2, s7  }
0xb: {  	_ =	strace $0x80000047;
	s7 =	sshll.u32 s7, $0x6;
	s10 =	sshrl.u32 s8, $0x1  }
0xc: {  	s7 =	sor.u32 s7, s9;
	s9 =	simm.s32 $0x200;
	s8 =	ssub.s32 s8, s10  }
0xd: {  	v0 =	vlaneseq.u32;
	s4 =	sadd.s32 s4, s7;
	s5 =	sadd.s32 s5, s7;
	s6 =	sadd.s32 s6, s7  }
0xe: {  	v0 =	vmul.u32 $0x80, v0;
	s10 =	simm.s32 $0x80;
	s7 =	smax.u32 s8, $0x1;
	s8 =	simm.s32 $0x2  }
.LBB2_1:
0xf: {  	[tilespmem:s2], [sflag:$0x2] =	stream.linear.gather [hbm4b:s4+s2], $0x200, $0x38;
	[tilespmem:$0x10A00] =	vst v63  }
0x10: {  	_ =	swait.ge [sflag:s8], $0x200  }
0x11: {  	[sflag:s8] =	ssyncset.done $0x0  }
0x12: {  	[sflag:s8] =	ssyncadd.s32 $0xFFFFFE00  }
0x13: {  	[tilespmem:s9], [sflag:$0x2] =	stream.linear.gather [hbm4b:s5+s2], $0x200, $0x38;
	[tilespmem:$0x10A00] =	vst v63  }
0x14: {  	_ =	swait.ge [sflag:s8], $0x200  }
0x15: {  	[sflag:s8] =	ssyncset.done $0x0  }
0x16: {  	s18 =	simm.s32 $0x0;
	[sflag:s8] =	ssyncadd.s32 $0xFFFFFE00  }
0x17: {  	v1 =	vld [tilespmem:s18+$0x200]  }
0x18: {  	v2 =	vld [tilespmem:s18+$0x0];
	_ =	sdelay $0x1  }
0x19: {  	s19 =	simm.s32 $0x40  }
.LBB2_2:
0x1a: {  	p0 =	sne.s32 s19, $0x7C0  }
.Ltmp0:
0x1b: {  	s20 =	sshra.s32 s19, $0x2;
	s19 =	sadd.s32 $0x40, s19;
	v3 =	vshra.s32 v1, $0x2;
	(pc) =	sbr.rel @p0 .LBB2_2-.Ltmp0, $4  }
0x1c: {  	v5 =	vand.u32 $0xFFF, v1;
	v4 =	vshra.s32 v2, $0x2;
	v3 =	vand.u32 $0xFFFFF000, v3;
	v1 =	vld [tilespmem:s20+$0x200]  }
0x1d: {  	v6 =	vand.u32 $0xFFF, v2;
	v4 =	vand.u32 $0xFFFFF000, v4;
	v2 =	vld [tilespmem:s20+$0x0];
	v3 =	vor.u32 v5, v3  }
0x1e: {  	v4 =	vor.u32 v6, v4;
	[tilespmem:s18+$0x600] =	vst v3  }
0x1f: {  	[tilespmem:s18+$0x400] =	vst v4;
	s18 =	smov.u32 s20  }
0x20: {  	_ = 	snop  }
0x21: {  	v3 =	vshra.s32 v1, $0x2  }
0x22: {  	v1 =	vand.u32 $0xFFF, v1;
	v4 =	vshra.s32 v2, $0x2;
	v3 =	vand.u32 $0xFFFFF000, v3  }
0x23: {  	v2 =	vand.u32 $0xFFF, v2;
	v4 =	vand.u32 $0xFFFFF000, v4;
	v1 =	vor.u32 v1, v3  }
0x24: {  	v2 =	vor.u32 v2, v4;
	[tilespmem:s18+$0x600] =	vst v1  }
0x25: {  	p1 =	por $0x1, $0x1;
	s19 =	simm.s32 $0x0;
	[tilespmem:s18+$0x400] =	vst v2;
	s18 =	simm.s32 $0x0  }
.LBB2_4:
0x26: {  	s20 =	sadd.s32 $0x400, s19  }
0x27: {  	[tilespmem:s11], [sflag:$0x1] =	stream.indirect.gather [hbm4b:s3+s10], $0x80, s20, s10, $0xb8;
	[tilespmem:$0x10A00] =	vst v63  }
0x28: {  	s26 =	sadd.s32 $0x600, s19  }
0x29: {  	[tilespmem:s12], [sflag:$0x1] =	stream.indirect.gather [hbm4b:s3+s10], $0x80, s26, s10, $0xb8;
	[tilespmem:$0x10A00] =	vst v63  }
0x2a: {  	s28 =	sadd.s32 $0x480, s19  }
0x2b: {  	[tilespmem:s13], [sflag:$0x1] =	stream.indirect.gather [hbm4b:s3+s10], $0x80, s28, s10, $0xb8;
	[tilespmem:$0x10A00] =	vst v63  }
0x2c: {  	s29 =	sadd.s32 $0x680, s19  }
0x2d: {  	[tilespmem:s14], [sflag:$0x1] =	stream.indirect.gather [hbm4b:s3+s10], $0x80, s29, s10, $0xb8;
	[tilespmem:$0x10A00] =	vst v63  }
0x2e: {  	_ =	swait.ge [sflag:s15], $0x4000  }
0x2f: {  	[sflag:s15] =	ssyncset.done $0x0  }
0x30: {  	[sflag:s15] =	ssyncadd.s32 $0xFFFFC000  }
0x31: {  	_ =	swait.ge [sflag:s15], $0x4000  }
0x32: {  	[sflag:s15] =	ssyncset.done $0x0  }
0x33: {  	[sflag:s15] =	ssyncadd.s32 $0xFFFFC000  }
0x34: {  	_ =	swait.ge [sflag:s15], $0x4000  }
0x35: {  	[sflag:s15] =	ssyncset.done $0x0  }
0x36: {  	[sflag:s15] =	ssyncadd.s32 $0xFFFFC000  }
0x37: {  	_ =	swait.ge [sflag:s15], $0x4000  }
0x38: {  	s30 =	sshll.u32 s19, $0x2;
	[sflag:s15] =	ssyncset.done $0x0  }
0x39: {  	s31 =	sshra.s32 s30, $0x2;
	[sflag:s15] =	ssyncadd.s32 $0xFFFFC000  }
0x3a: {  	s21 =	sadd.s32 $0x200, s31;
	v1 =	vld [tilespmem:s31+$0x0]  }
0x3b: {  	v2 =	vld [tilespmem:s21+$0x0];
	_ =	sdelay $0x2  }
0x3c: {  	v3 =	vmov s18  }
0x3d: {  	v3 =	vshll.u32 v3, $0x7;
	v1 =	vshrl.u32 v1, $0x7  }
0x3e: {  	v3 =	vor.u32 v0, v3;
	v2 =	vshrl.u32 v2, $0x7;
	v1 =	vand.u32 $0x60, v1  }
0x3f: {  	v4 =	vand.u32 $0x60, v2;
	v2 =	vor.u32 v3, v1  }
0x40: {  	v1 =	vor.u32 v3, v4  }
0x41: {  	v3 =	vor.u32 $0x1, v2  }
0x42: {  	v4 =	vor.u32 $0x1, v1  }
0x43: {  	v5 =	vor.u32 $0x2, v2  }
0x44: {  	v7 =	vor.u32 $0x2, v1;
	v6 =	vld.idx.msk [tilespmem:v2+s11+$0x0], $0xffff  }
0x45: {  	v9 =	vor.u32 $0x3, v2;
	v8 =	vld.idx.msk [tilespmem:v1+s12+$0x0], $0xffff  }
0x46: {  	v10 =	vor.u32 $0x3, v1;
	v3 =	vld.idx.msk [tilespmem:v3+s11+$0x0], $0xffff  }
0x47: {  	v11 =	vor.u32 $0x4, v2;
	v4 =	vld.idx.msk [tilespmem:v4+s12+$0x0], $0xffff  }
0x48: {  	v12 =	vor.u32 $0x4, v1;
	v5 =	vld.idx.msk [tilespmem:v5+s11+$0x0], $0xffff  }
0x49: {  	v13 =	vor.u32 $0x5, v2;
	v7 =	vld.idx.msk [tilespmem:v7+s12+$0x0], $0xffff  }
0x4a: {  	v14 =	vor.u32 $0x5, v1;
	v9 =	vld.idx.msk [tilespmem:v9+s11+$0x0], $0xffff;
	v6 =	vshll.u32 v6, $0x10;
	v8 =	vand.u32 $0xFFFF0000, v8  }
0x4b: {  	v15 =	vor.u32 $0x6, v2;
	v10 =	vld.idx.msk [tilespmem:v10+s12+$0x0], $0xffff;
	v6 =	vmul.f32 v8, v6  }
0x4c: {  	v44 =	vor.u32 $0x6, v1;
	v43 =	vld.idx.msk [tilespmem:v11+s11+$0x0], $0xffff;
	v3 =	vshll.u32 v3, $0x10;
	v4 =	vand.u32 $0xFFFF0000, v4  }
0x4d: {  	v16 =	vor.u32 $0x7, v2;
	v12 =	vld.idx.msk [tilespmem:v12+s12+$0x0], $0xffff;
	v3 =	vmul.f32 v4, v3;
	v6 =	vadd.f32 $0.0e+00, v6  }
0x4e: {  	v46 =	vor.u32 $0x7, v1;
	v45 =	vld.idx.msk [tilespmem:v13+s11+$0x0], $0xffff;
	v5 =	vshll.u32 v5, $0x10;
	v7 =	vand.u32 $0xFFFF0000, v7  }
0x4f: {  	v17 =	vor.u32 $0x8, v2;
	v14 =	vld.idx.msk [tilespmem:v14+s12+$0x0], $0xffff;
	v5 =	vmul.f32 v7, v5;
	v3 =	vadd.f32 v3, v6  }
0x50: {  	v48 =	vor.u32 $0x8, v1;
	v47 =	vld.idx.msk [tilespmem:v15+s11+$0x0], $0xffff;
	v9 =	vshll.u32 v9, $0x10;
	v10 =	vand.u32 $0xFFFF0000, v10  }
0x51: {  	v49 =	vor.u32 $0x9, v2;
	v11 =	vld.idx.msk [tilespmem:v44+s12+$0x0], $0xffff;
	v50 =	vmul.f32 v10, v9;
	v3 =	vadd.f32 v5, v3  }
0x52: {  	v52 =	vor.u32 $0x9, v1;
	v51 =	vld.idx.msk [tilespmem:v16+s11+$0x0], $0xffff;
	v8 =	vshll.u32 v43, $0x10;
	v12 =	vand.u32 $0xFFFF0000, v12  }
0x53: {  	v53 =	vor.u32 $0xA, v2;
	v13 =	vld.idx.msk [tilespmem:v46+s12+$0x0], $0xffff;
	v54 =	vmul.f32 v12, v8;
	v3 =	vadd.f32 v50, v3  }
0x54: {  	v56 =	vor.u32 $0xA, v1;
	v55 =	vld.idx.msk [tilespmem:v17+s11+$0x0], $0xffff;
	v14 =	vand.u32 $0xFFFF0000, v14;
	v4 =	vshll.u32 v45, $0x10  }
0x55: {  	v57 =	vor.u32 $0xB, v2;
	v7 =	vld.idx.msk [tilespmem:v48+s12+$0x0], $0xffff;
	v4 =	vmul.f32 v14, v4;
	v3 =	vadd.f32 v54, v3  }
0x56: {  	v59 =	vor.u32 $0xB, v1;
	v58 =	vld.idx.msk [tilespmem:v49+s11+$0x0], $0xffff;
	v11 =	vand.u32 $0xFFFF0000, v11;
	v6 =	vshll.u32 v47, $0x10  }
0x57: {  	v60 =	vor.u32 $0xC, v2;
	v10 =	vld.idx.msk [tilespmem:v52+s12+$0x0], $0xffff;
	v61 =	vmul.f32 v11, v6;
	v3 =	vadd.f32 v4, v3  }
0x58: {  	v63 =	vor.u32 $0xC, v1;
	v62 =	vld.idx.msk [tilespmem:v53+s11+$0x0], $0xffff;
	v13 =	vand.u32 $0xFFFF0000, v13;
	v9 =	vshll.u32 v51, $0x10  }
0x59: {  	v20 =	vor.u32 $0xD, v2;
	v12 =	vld.idx.msk [tilespmem:v56+s12+$0x0], $0xffff;
	v21 =	vmul.f32 v13, v9;
	v3 =	vadd.f32 v61, v3  }
0x5a: {  	v23 =	vor.u32 $0xD, v1;
	v22 =	vld.idx.msk [tilespmem:v57+s11+$0x0], $0xffff;
	v8 =	vshll.u32 v55, $0x10;
	v7 =	vand.u32 $0xFFFF0000, v7  }
0x5b: {  	v24 =	vor.u32 $0xE, v2;
	v14 =	vld.idx.msk [tilespmem:v59+s12+$0x0], $0xffff;
	v25 =	vmul.f32 v7, v8;
	v3 =	vadd.f32 v21, v3  }
0x5c: {  	v27 =	vor.u32 $0xE, v1;
	v26 =	vld.idx.msk [tilespmem:v60+s11+$0x0], $0xffff;
	v5 =	vshll.u32 v58, $0x10;
	v10 =	vand.u32 $0xFFFF0000, v10  }
0x5d: {  	v28 =	vor.u32 $0xF, v2;
	v11 =	vld.idx.msk [tilespmem:v63+s12+$0x0], $0xffff;
	v29 =	vmul.f32 v10, v5;
	v3 =	vadd.f32 v25, v3  }
0x5e: {  	v31 =	vor.u32 $0xF, v1;
	v30 =	vld.idx.msk [tilespmem:v20+s11+$0x0], $0xffff;
	v6 =	vshll.u32 v62, $0x10;
	v12 =	vand.u32 $0xFFFF0000, v12  }
0x5f: {  	v32 =	vor.u32 $0x10, v2;
	v13 =	vld.idx.msk [tilespmem:v23+s12+$0x0], $0xffff;
	v33 =	vmul.f32 v12, v6;
	v3 =	vadd.f32 v29, v3  }
0x60: {  	v35 =	vor.u32 $0x10, v1;
	v34 =	vld.idx.msk [tilespmem:v24+s11+$0x0], $0xffff;
	v9 =	vshll.u32 v22, $0x10;
	v14 =	vand.u32 $0xFFFF0000, v14  }
0x61: {  	v36 =	vor.u32 $0x11, v2;
	v8 =	vld.idx.msk [tilespmem:v27+s12+$0x0], $0xffff;
	v37 =	vmul.f32 v14, v9;
	v3 =	vadd.f32 v33, v3  }
0x62: {  	v39 =	vor.u32 $0x11, v1;
	v38 =	vld.idx.msk [tilespmem:v28+s11+$0x0], $0xffff;
	v7 =	vshll.u32 v26, $0x10;
	v11 =	vand.u32 $0xFFFF0000, v11  }
0x63: {  	v40 =	vor.u32 $0x12, v2;
	v10 =	vld.idx.msk [tilespmem:v31+s12+$0x0], $0xffff;
	v41 =	vmul.f32 v11, v7;
	v3 =	vadd.f32 v37, v3  }
0x64: {  	v42 =	vld.idx.msk [tilespmem:v32+s11+$0x0], $0xffff;
	v43 =	vor.u32 $0x12, v1;
	v5 =	vshll.u32 v30, $0x10;
	v13 =	vand.u32 $0xFFFF0000, v13  }
0x65: {  	v47 =	vor.u32 $0x13, v1;
	v12 =	vld.idx.msk [tilespmem:v35+s12+$0x0], $0xffff;
	v45 =	vmul.f32 v13, v5;
	v3 =	vadd.f32 v41, v3  }
0x66: {  	v44 =	vor.u32 $0x13, v2;
	v46 =	vld.idx.msk [tilespmem:v36+s11+$0x0], $0xffff;
	v6 =	vshll.u32 v34, $0x10;
	v8 =	vand.u32 $0xFFFF0000, v8  }
0x67: {  	v48 =	vor.u32 $0x14, v2;
	v14 =	vld.idx.msk [tilespmem:v39+s12+$0x0], $0xffff;
	v49 =	vmul.f32 v8, v6;
	v3 =	vadd.f32 v45, v3  }
0x68: {  	v51 =	vor.u32 $0x14, v1;
	v50 =	vld.idx.msk [tilespmem:v40+s11+$0x0], $0xffff;
	v9 =	vshll.u32 v38, $0x10;
	v10 =	vand.u32 $0xFFFF0000, v10  }
0x69: {  	v52 =	vor.u32 $0x15, v2;
	v11 =	vld.idx.msk [tilespmem:v43+s12+$0x0], $0xffff;
	v53 =	vmul.f32 v10, v9;
	v3 =	vadd.f32 v49, v3  }
0x6a: {  	v55 =	vor.u32 $0x15, v1;
	v13 =	vld.idx.msk [tilespmem:v47+s12+$0x0], $0xffff;
	v7 =	vshll.u32 v42, $0x10;
	v12 =	vand.u32 $0xFFFF0000, v12  }
0x6b: {  	v56 =	vor.u32 $0x16, v2;
	v54 =	vld.idx.msk [tilespmem:v44+s11+$0x0], $0xffff;
	v57 =	vmul.f32 v12, v7;
	v3 =	vadd.f32 v53, v3  }
0x6c: {  	v59 =	vor.u32 $0x16, v1;
	v58 =	vld.idx.msk [tilespmem:v48+s11+$0x0], $0xffff;
	v5 =	vshll.u32 v46, $0x10;
	v14 =	vand.u32 $0xFFFF0000, v14  }
0x6d: {  	v60 =	vor.u32 $0x17, v2;
	v8 =	vld.idx.msk [tilespmem:v51+s12+$0x0], $0xffff;
	v61 =	vmul.f32 v14, v5;
	v3 =	vadd.f32 v57, v3  }
0x6e: {  	v63 =	vor.u32 $0x17, v1;
	v62 =	vld.idx.msk [tilespmem:v52+s11+$0x0], $0xffff;
	v6 =	vshll.u32 v50, $0x10;
	v11 =	vand.u32 $0xFFFF0000, v11  }
0x6f: {  	v20 =	vor.u32 $0x18, v2;
	v10 =	vld.idx.msk [tilespmem:v55+s12+$0x0], $0xffff;
	v21 =	vmul.f32 v11, v6;
	v3 =	vadd.f32 v61, v3  }
0x70: {  	v23 =	vor.u32 $0x18, v1;
	v22 =	vld.idx.msk [tilespmem:v56+s11+$0x0], $0xffff;
	v13 =	vand.u32 $0xFFFF0000, v13;
	v9 =	vshll.u32 v54, $0x10  }
0x71: {  	v24 =	vor.u32 $0x19, v2;
	v12 =	vld.idx.msk [tilespmem:v59+s12+$0x0], $0xffff;
	v25 =	vmul.f32 v13, v9;
	v3 =	vadd.f32 v21, v3  }
0x72: {  	v26 =	vld.idx.msk [tilespmem:v60+s11+$0x0], $0xffff;
	v27 =	vor.u32 $0x19, v1;
	v7 =	vshll.u32 v58, $0x10;
	v8 =	vand.u32 $0xFFFF0000, v8  }
0x73: {  	v28 =	vor.u32 $0x1A, v2;
	v14 =	vld.idx.msk [tilespmem:v63+s12+$0x0], $0xffff;
	v29 =	vmul.f32 v8, v7;
	v3 =	vadd.f32 v25, v3  }
0x74: {  	v30 =	vld.idx.msk [tilespmem:v20+s11+$0x0], $0xffff;
	v31 =	vor.u32 $0x1A, v1;
	v5 =	vshll.u32 v62, $0x10;
	v10 =	vand.u32 $0xFFFF0000, v10  }
0x75: {  	v32 =	vor.u32 $0x1B, v2;
	v11 =	vld.idx.msk [tilespmem:v23+s12+$0x0], $0xffff;
	v33 =	vmul.f32 v10, v5;
	v3 =	vadd.f32 v29, v3  }
0x76: {  	v34 =	vld.idx.msk [tilespmem:v24+s11+$0x0], $0xffff;
	v35 =	vor.u32 $0x1B, v1;
	v6 =	vshll.u32 v22, $0x10;
	v12 =	vand.u32 $0xFFFF0000, v12  }
0x77: {  	v36 =	vor.u32 $0x1C, v2;
	v13 =	vld.idx.msk [tilespmem:v27+s12+$0x0], $0xffff;
	v37 =	vmul.f32 v12, v6;
	v3 =	vadd.f32 v33, v3  }
0x78: {  	v38 =	vld.idx.msk [tilespmem:v28+s11+$0x0], $0xffff;
	v39 =	vor.u32 $0x1C, v1;
	v9 =	vshll.u32 v26, $0x10;
	v14 =	vand.u32 $0xFFFF0000, v14  }
0x79: {  	v43 =	vor.u32 $0x1D, v1;
	v8 =	vld.idx.msk [tilespmem:v31+s12+$0x0], $0xffff;
	v41 =	vmul.f32 v14, v9;
	v3 =	vadd.f32 v37, v3  }
0x7a: {  	v40 =	vor.u32 $0x1D, v2;
	v42 =	vld.idx.msk [tilespmem:v32+s11+$0x0], $0xffff;
	v7 =	vshll.u32 v30, $0x10;
	v11 =	vand.u32 $0xFFFF0000, v11  }
0x7b: {  	v47 =	vor.u32 $0x1E, v1;
	v10 =	vld.idx.msk [tilespmem:v35+s12+$0x0], $0xffff;
	v45 =	vmul.f32 v11, v7;
	v3 =	vadd.f32 v41, v3  }
0x7c: {  	v46 =	vld.idx.msk [tilespmem:v36+s11+$0x0], $0xffff;
	v44 =	vor.u32 $0x1E, v2;
	v5 =	vshll.u32 v34, $0x10;
	v13 =	vand.u32 $0xFFFF0000, v13  }
0x7d: {  	v2 =	vor.u32 $0x1F, v2;
	v12 =	vld.idx.msk [tilespmem:v39+s12+$0x0], $0xffff;
	v48 =	vmul.f32 v13, v5;
	v3 =	vadd.f32 v45, v3  }
0x7e: {  	v1 =	vor.u32 $0x1F, v1;
	v50 =	vld.idx.msk [tilespmem:v43+s12+$0x0], $0xffff;
	v6 =	vshll.u32 v38, $0x10;
	v8 =	vand.u32 $0xFFFF0000, v8  }
0x7f: {  	v51 =	vmul.f32 v8, v6;
	v49 =	vld.idx.msk [tilespmem:v40+s11+$0x0], $0xffff;
	v3 =	vadd.f32 v48, v3  }
0x80: {  	v55 =	vld.idx.msk [tilespmem:v47+s12+$0x0], $0xffff;
	v54 =	vand.u32 $0xFFFF0000, v10;
	v53 =	vshll.u32 v42, $0x10  }
0x81: {  	v52 =	vld.idx.msk [tilespmem:v44+s11+$0x0], $0xffff;
	v56 =	vmul.f32 v54, v53;
	v3 =	vadd.f32 v51, v3  }
0x82: {  	v2 =	vld.idx.msk [tilespmem:v2+s11+$0x0], $0xffff;
	v7 =	vshll.u32 v46, $0x10;
	v57 =	vand.u32 $0xFFFF0000, v12  }
0x83: {  	v1 =	vld.idx.msk [tilespmem:v1+s12+$0x0], $0xffff;
	v58 =	vmul.f32 v57, v7;
	v3 =	vadd.f32 v56, v3  }
0x84: {  	v59 =	vand.u32 $0xFFFF0000, v50;
	v5 =	vshll.u32 v49, $0x10  }
0x85: {  	v60 =	vmul.f32 v59, v5;
	v3 =	vadd.f32 v58, v3  }
0x86: {  	v62 =	vand.u32 $0xFFFF0000, v55;
	v61 =	vshll.u32 v52, $0x10  }
0x87: {  	v63 =	vmul.f32 v62, v61;
	v3 =	vadd.f32 v60, v3  }
0x88: {  	v2 =	vshll.u32 v2, $0x10;
	v1 =	vand.u32 $0xFFFF0000, v1  }
0x89: {  	v1 =	vmul.f32 v1, v2;
	v3 =	vadd.f32 v63, v3;
	_ =	sdelay $0x1  }
0x8a: {  	v1 =	vadd.f32 v1, v3  }
0x8b: {  	s19 =	sadd.s32 $0x10800, s31  }
0x8c: {  	s20 =	sadd.s32 $0x10, s31;
	[tilespmem:s19+$0x0] =	vst v1  }
0x8d: {  	s21 =	sadd.s32 $0x10, s21;
	v1 =	vld [tilespmem:s20+$0x0]  }
0x8e: {  	p0 =	por p1, p1;
	s22 =	simm.s32 $0x10;
	s23 =	simm.s32 $0x20;
	v2 =	vld [tilespmem:s21+$0x0]  }
.LBB2_5:
0x8f: {  	p1 =	sne.s32 s23, $0xF0;
	_ =	sdelay $0x1  }
0x90: {  	v3 =	vmov s22;
	s22 =	smov.u32 s23  }
0x91: {  	v3 =	vshll.u32 v3, $0x7;
	v1 =	vshrl.u32 v1, $0x7  }
0x92: {  	v3 =	vor.u32 v0, v3;
	v1 =	vand.u32 $0x60, v1;
	v2 =	vshrl.u32 v2, $0x7  }
0x93: {  	v4 =	vand.u32 $0x60, v2;
	v2 =	vor.u32 v3, v1  }
0x94: {  	v1 =	vor.u32 v3, v4  }
0x95: {  	v3 =	vor.u32 $0x1, v2  }
0x96: {  	v4 =	vor.u32 $0x1, v1  }
0x97: {  	v5 =	vor.u32 $0x2, v2  }
0x98: {  	v7 =	vor.u32 $0x2, v1;
	v6 =	vld.idx.msk [tilespmem:v2+s11+$0x0], $0xffff  }
0x99: {  	v9 =	vor.u32 $0x3, v2;
	v8 =	vld.idx.msk [tilespmem:v1+s12+$0x0], $0xffff  }
0x9a: {  	v10 =	vor.u32 $0x3, v1;
	v3 =	vld.idx.msk [tilespmem:v3+s11+$0x0], $0xffff  }
0x9b: {  	v11 =	vor.u32 $0x4, v2;
	v4 =	vld.idx.msk [tilespmem:v4+s12+$0x0], $0xffff  }
0x9c: {  	v12 =	vor.u32 $0x4, v1;
	v5 =	vld.idx.msk [tilespmem:v5+s11+$0x0], $0xffff  }
0x9d: {  	v13 =	vor.u32 $0x5, v2;
	v7 =	vld.idx.msk [tilespmem:v7+s12+$0x0], $0xffff  }
0x9e: {  	v14 =	vor.u32 $0x5, v1;
	v9 =	vld.idx.msk [tilespmem:v9+s11+$0x0], $0xffff  }
0x9f: {  	v15 =	vor.u32 $0x6, v2;
	v6 =	vshll.u32 v6, $0x10;
	v8 =	vand.u32 $0xFFFF0000, v8;
	v10 =	vld.idx.msk [tilespmem:v10+s12+$0x0], $0xffff  }
0xa0: {  	v6 =	vmul.f32 v8, v6;
	v8 =	vld.idx.msk [tilespmem:v11+s11+$0x0], $0xffff;
	v11 =	vor.u32 $0x6, v1  }
0xa1: {  	v16 =	vor.u32 $0x7, v2;
	v3 =	vshll.u32 v3, $0x10;
	v4 =	vand.u32 $0xFFFF0000, v4;
	v12 =	vld.idx.msk [tilespmem:v12+s12+$0x0], $0xffff  }
0xa2: {  	v6 =	vadd.f32 $0.0e+00, v6;
	v3 =	vmul.f32 v4, v3;
	v4 =	vld.idx.msk [tilespmem:v13+s11+$0x0], $0xffff;
	v13 =	vor.u32 $0x7, v1  }
0xa3: {  	v17 =	vor.u32 $0x8, v2;
	v5 =	vshll.u32 v5, $0x10;
	v7 =	vand.u32 $0xFFFF0000, v7;
	v14 =	vld.idx.msk [tilespmem:v14+s12+$0x0], $0xffff  }
0xa4: {  	v3 =	vadd.f32 v3, v6;
	v5 =	vmul.f32 v7, v5;
	v7 =	vor.u32 $0x8, v1;
	v6 =	vld.idx.msk [tilespmem:v15+s11+$0x0], $0xffff  }
0xa5: {  	v9 =	vshll.u32 v9, $0x10;
	v10 =	vand.u32 $0xFFFF0000, v10;
	v15 =	vor.u32 $0x9, v2;
	v11 =	vld.idx.msk [tilespmem:v11+s12+$0x0], $0xffff  }
0xa6: {  	v3 =	vadd.f32 v5, v3;
	v5 =	vmul.f32 v10, v9;
	v10 =	vor.u32 $0x9, v1;
	v9 =	vld.idx.msk [tilespmem:v16+s11+$0x0], $0xffff  }
0xa7: {  	v8 =	vshll.u32 v8, $0x10;
	v12 =	vand.u32 $0xFFFF0000, v12;
	v16 =	vor.u32 $0xA, v2;
	v13 =	vld.idx.msk [tilespmem:v13+s12+$0x0], $0xffff  }
0xa8: {  	v3 =	vadd.f32 v5, v3;
	v5 =	vmul.f32 v12, v8;
	v12 =	vor.u32 $0xA, v1;
	v8 =	vld.idx.msk [tilespmem:v17+s11+$0x0], $0xffff  }
0xa9: {  	v4 =	vshll.u32 v4, $0x10;
	v14 =	vand.u32 $0xFFFF0000, v14;
	v17 =	vor.u32 $0xB, v2;
	v7 =	vld.idx.msk [tilespmem:v7+s12+$0x0], $0xffff  }
0xaa: {  	v3 =	vadd.f32 v5, v3;
	v4 =	vmul.f32 v14, v4;
	v14 =	vor.u32 $0xB, v1;
	v5 =	vld.idx.msk [tilespmem:v15+s11+$0x0], $0xffff  }
0xab: {  	v6 =	vshll.u32 v6, $0x10;
	v11 =	vand.u32 $0xFFFF0000, v11;
	v15 =	vor.u32 $0xC, v2;
	v10 =	vld.idx.msk [tilespmem:v10+s12+$0x0], $0xffff  }
0xac: {  	v3 =	vadd.f32 v4, v3;
	v4 =	vmul.f32 v11, v6;
	v11 =	vor.u32 $0xC, v1;
	v6 =	vld.idx.msk [tilespmem:v16+s11+$0x0], $0xffff  }
0xad: {  	v9 =	vshll.u32 v9, $0x10;
	v13 =	vand.u32 $0xFFFF0000, v13;
	v16 =	vor.u32 $0xD, v2;
	v12 =	vld.idx.msk [tilespmem:v12+s12+$0x0], $0xffff  }
0xae: {  	v3 =	vadd.f32 v4, v3;
	v4 =	vmul.f32 v13, v9;
	v13 =	vor.u32 $0xD, v1;
	v9 =	vld.idx.msk [tilespmem:v17+s11+$0x0], $0xffff  }
0xaf: {  	v8 =	vshll.u32 v8, $0x10;
	v7 =	vand.u32 $0xFFFF0000, v7;
	v17 =	vor.u32 $0xE, v2;
	v14 =	vld.idx.msk [tilespmem:v14+s12+$0x0], $0xffff  }
0xb0: {  	v3 =	vadd.f32 v4, v3;
	v4 =	vmul.f32 v7, v8;
	v8 =	vor.u32 $0xE, v1;
	v7 =	vld.idx.msk [tilespmem:v15+s11+$0x0], $0xffff  }
0xb1: {  	v5 =	vshll.u32 v5, $0x10;
	v10 =	vand.u32 $0xFFFF0000, v10;
	v15 =	vor.u32 $0xF, v2;
	v11 =	vld.idx.msk [tilespmem:v11+s12+$0x0], $0xffff  }
0xb2: {  	v3 =	vadd.f32 v4, v3;
	v4 =	vmul.f32 v10, v5;
	v10 =	vor.u32 $0xF, v1;
	v5 =	vld.idx.msk [tilespmem:v16+s11+$0x0], $0xffff  }
0xb3: {  	v6 =	vshll.u32 v6, $0x10;
	v12 =	vand.u32 $0xFFFF0000, v12;
	v16 =	vor.u32 $0x10, v2;
	v13 =	vld.idx.msk [tilespmem:v13+s12+$0x0], $0xffff  }
0xb4: {  	v3 =	vadd.f32 v4, v3;
	v4 =	vmul.f32 v12, v6;
	v12 =	vor.u32 $0x10, v1;
	v6 =	vld.idx.msk [tilespmem:v17+s11+$0x0], $0xffff  }
0xb5: {  	v9 =	vshll.u32 v9, $0x10;
	v14 =	vand.u32 $0xFFFF0000, v14;
	v17 =	vor.u32 $0x11, v2;
	v8 =	vld.idx.msk [tilespmem:v8+s12+$0x0], $0xffff  }
0xb6: {  	v3 =	vadd.f32 v4, v3;
	v4 =	vmul.f32 v14, v9;
	v14 =	vor.u32 $0x11, v1;
	v9 =	vld.idx.msk [tilespmem:v15+s11+$0x0], $0xffff  }
0xb7: {  	v7 =	vshll.u32 v7, $0x10;
	v11 =	vand.u32 $0xFFFF0000, v11;
	v15 =	vor.u32 $0x12, v2;
	v10 =	vld.idx.msk [tilespmem:v10+s12+$0x0], $0xffff  }
0xb8: {  	v3 =	vadd.f32 v4, v3;
	v4 =	vmul.f32 v11, v7;
	v11 =	vor.u32 $0x12, v1;
	v7 =	vld.idx.msk [tilespmem:v16+s11+$0x0], $0xffff  }
0xb9: {  	v5 =	vshll.u32 v5, $0x10;
	v13 =	vand.u32 $0xFFFF0000, v13;
	v16 =	vor.u32 $0x13, v2;
	v12 =	vld.idx.msk [tilespmem:v12+s12+$0x0], $0xffff  }
0xba: {  	v3 =	vadd.f32 v4, v3;
	v4 =	vmul.f32 v13, v5;
	v13 =	vor.u32 $0x13, v1;
	v5 =	vld.idx.msk [tilespmem:v17+s11+$0x0], $0xffff  }
0xbb: {  	v6 =	vshll.u32 v6, $0x10;
	v8 =	vand.u32 $0xFFFF0000, v8;
	v17 =	vor.u32 $0x14, v2;
	v14 =	vld.idx.msk [tilespmem:v14+s12+$0x0], $0xffff  }
0xbc: {  	v3 =	vadd.f32 v4, v3;
	v4 =	vmul.f32 v8, v6;
	v8 =	vor.u32 $0x14, v1;
	v6 =	vld.idx.msk [tilespmem:v15+s11+$0x0], $0xffff  }
0xbd: {  	v9 =	vshll.u32 v9, $0x10;
	v10 =	vand.u32 $0xFFFF0000, v10;
	v15 =	vor.u32 $0x15, v2;
	v11 =	vld.idx.msk [tilespmem:v11+s12+$0x0], $0xffff  }
0xbe: {  	v3 =	vadd.f32 v4, v3;
	v4 =	vmul.f32 v10, v9;
	v10 =	vor.u32 $0x15, v1;
	v9 =	vld.idx.msk [tilespmem:v16+s11+$0x0], $0xffff  }
0xbf: {  	v7 =	vshll.u32 v7, $0x10;
	v12 =	vand.u32 $0xFFFF0000, v12;
	v16 =	vor.u32 $0x16, v2;
	v13 =	vld.idx.msk [tilespmem:v13+s12+$0x0], $0xffff  }
0xc0: {  	v3 =	vadd.f32 v4, v3;
	v4 =	vmul.f32 v12, v7;
	v12 =	vor.u32 $0x16, v1;
	v7 =	vld.idx.msk [tilespmem:v17+s11+$0x0], $0xffff  }
0xc1: {  	v5 =	vshll.u32 v5, $0x10;
	v14 =	vand.u32 $0xFFFF0000, v14;
	v17 =	vor.u32 $0x17, v2;
	v8 =	vld.idx.msk [tilespmem:v8+s12+$0x0], $0xffff  }
0xc2: {  	v3 =	vadd.f32 v4, v3;
	v4 =	vmul.f32 v14, v5;
	v14 =	vor.u32 $0x17, v1;
	v5 =	vld.idx.msk [tilespmem:v15+s11+$0x0], $0xffff  }
0xc3: {  	v6 =	vshll.u32 v6, $0x10;
	v11 =	vand.u32 $0xFFFF0000, v11;
	v15 =	vor.u32 $0x18, v2;
	v10 =	vld.idx.msk [tilespmem:v10+s12+$0x0], $0xffff  }
0xc4: {  	v3 =	vadd.f32 v4, v3;
	v4 =	vmul.f32 v11, v6;
	v11 =	vor.u32 $0x18, v1;
	v6 =	vld.idx.msk [tilespmem:v16+s11+$0x0], $0xffff  }
0xc5: {  	v9 =	vshll.u32 v9, $0x10;
	v13 =	vand.u32 $0xFFFF0000, v13;
	v16 =	vor.u32 $0x19, v2;
	v12 =	vld.idx.msk [tilespmem:v12+s12+$0x0], $0xffff  }
0xc6: {  	v3 =	vadd.f32 v4, v3;
	v4 =	vmul.f32 v13, v9;
	v13 =	vor.u32 $0x19, v1;
	v9 =	vld.idx.msk [tilespmem:v17+s11+$0x0], $0xffff  }
0xc7: {  	v7 =	vshll.u32 v7, $0x10;
	v8 =	vand.u32 $0xFFFF0000, v8;
	v17 =	vor.u32 $0x1A, v2;
	v14 =	vld.idx.msk [tilespmem:v14+s12+$0x0], $0xffff  }
0xc8: {  	v3 =	vadd.f32 v4, v3;
	v4 =	vmul.f32 v8, v7;
	v8 =	vor.u32 $0x1A, v1;
	v7 =	vld.idx.msk [tilespmem:v15+s11+$0x0], $0xffff  }
0xc9: {  	v5 =	vshll.u32 v5, $0x10;
	v10 =	vand.u32 $0xFFFF0000, v10;
	v15 =	vor.u32 $0x1B, v2;
	v11 =	vld.idx.msk [tilespmem:v11+s12+$0x0], $0xffff  }
0xca: {  	v3 =	vadd.f32 v4, v3;
	v4 =	vmul.f32 v10, v5;
	v10 =	vor.u32 $0x1B, v1;
	v5 =	vld.idx.msk [tilespmem:v16+s11+$0x0], $0xffff  }
0xcb: {  	v6 =	vshll.u32 v6, $0x10;
	v12 =	vand.u32 $0xFFFF0000, v12;
	v16 =	vor.u32 $0x1C, v2;
	v13 =	vld.idx.msk [tilespmem:v13+s12+$0x0], $0xffff  }
0xcc: {  	v3 =	vadd.f32 v4, v3;
	v4 =	vmul.f32 v12, v6;
	v12 =	vor.u32 $0x1C, v1;
	v6 =	vld.idx.msk [tilespmem:v17+s11+$0x0], $0xffff  }
0xcd: {  	v9 =	vshll.u32 v9, $0x10;
	v14 =	vand.u32 $0xFFFF0000, v14;
	v17 =	vor.u32 $0x1D, v2;
	v8 =	vld.idx.msk [tilespmem:v8+s12+$0x0], $0xffff  }
0xce: {  	v3 =	vadd.f32 v4, v3;
	v4 =	vmul.f32 v14, v9;
	v14 =	vor.u32 $0x1D, v1;
	v9 =	vld.idx.msk [tilespmem:v15+s11+$0x0], $0xffff  }
0xcf: {  	v7 =	vshll.u32 v7, $0x10;
	v11 =	vand.u32 $0xFFFF0000, v11;
	v15 =	vor.u32 $0x1E, v2;
	v10 =	vld.idx.msk [tilespmem:v10+s12+$0x0], $0xffff  }
0xd0: {  	v3 =	vadd.f32 v4, v3;
	v4 =	vmul.f32 v11, v7;
	v11 =	vor.u32 $0x1E, v1;
	v7 =	vld.idx.msk [tilespmem:v16+s11+$0x0], $0xffff  }
0xd1: {  	v2 =	vor.u32 $0x1F, v2;
	v5 =	vshll.u32 v5, $0x10;
	v13 =	vand.u32 $0xFFFF0000, v13;
	v12 =	vld.idx.msk [tilespmem:v12+s12+$0x0], $0xffff  }
0xd2: {  	v1 =	vor.u32 $0x1F, v1;
	v3 =	vadd.f32 v4, v3;
	v4 =	vmul.f32 v13, v5;
	v5 =	vld.idx.msk [tilespmem:v17+s11+$0x0], $0xffff  }
0xd3: {  	v6 =	vshll.u32 v6, $0x10;
	v8 =	vand.u32 $0xFFFF0000, v8;
	v13 =	vld.idx.msk [tilespmem:v14+s12+$0x0], $0xffff  }
0xd4: {  	v3 =	vadd.f32 v4, v3;
	v4 =	vmul.f32 v8, v6;
	v6 =	vld.idx.msk [tilespmem:v15+s11+$0x0], $0xffff  }
0xd5: {  	v8 =	vshll.u32 v9, $0x10;
	v9 =	vand.u32 $0xFFFF0000, v10;
	v10 =	vld.idx.msk [tilespmem:v11+s12+$0x0], $0xffff  }
0xd6: {  	v3 =	vadd.f32 v4, v3;
	v4 =	vmul.f32 v9, v8;
	v2 =	vld.idx.msk [tilespmem:v2+s11+$0x0], $0xffff  }
0xd7: {  	v7 =	vshll.u32 v7, $0x10;
	v8 =	vand.u32 $0xFFFF0000, v12;
	v1 =	vld.idx.msk [tilespmem:v1+s12+$0x0], $0xffff  }
0xd8: {  	v3 =	vadd.f32 v4, v3;
	v4 =	vmul.f32 v8, v7  }
0xd9: {  	v5 =	vshll.u32 v5, $0x10;
	v7 =	vand.u32 $0xFFFF0000, v13  }
0xda: {  	v3 =	vadd.f32 v4, v3;
	v4 =	vmul.f32 v7, v5  }
0xdb: {  	v5 =	vshll.u32 v6, $0x10;
	v6 =	vand.u32 $0xFFFF0000, v10  }
0xdc: {  	v3 =	vadd.f32 v4, v3;
	v4 =	vmul.f32 v6, v5  }
0xdd: {  	v2 =	vshll.u32 v2, $0x10;
	v1 =	vand.u32 $0xFFFF0000, v1  }
0xde: {  	v3 =	vadd.f32 v4, v3;
	v1 =	vmul.f32 v1, v2;
	_ =	sdelay $0x1  }
.Ltmp1:
0xdf: {  	v1 =	vadd.f32 v1, v3;
	(pc) =	sbr.rel @p1 .LBB2_5-.Ltmp1, $4  }
0xe0: {  	s19 =	sadd.s32 $0x10, s19  }
0xe1: {  	s20 =	sadd.s32 $0x10, s20;
	[tilespmem:s19+$0x0] =	vst v1  }
0xe2: {  	s21 =	sadd.s32 $0x10, s21;
	v1 =	vld [tilespmem:s20+$0x0]  }
0xe3: {  	s23 =	sadd.s32 $0x10, s23;
	v2 =	vld [tilespmem:s21+$0x0]  }
0xe4: {  	_ =	sdelay $0x1  }
0xe5: {  	v3 =	vmov s22  }
0xe6: {  	v3 =	vshll.u32 v3, $0x7;
	v1 =	vshrl.u32 v1, $0x7  }
0xe7: {  	v3 =	vor.u32 v0, v3;
	v1 =	vand.u32 $0x60, v1;
	v2 =	vshrl.u32 v2, $0x7  }
0xe8: {  	v4 =	vand.u32 $0x60, v2;
	v2 =	vor.u32 v3, v1  }
0xe9: {  	v1 =	vor.u32 v3, v4  }
0xea: {  	v3 =	vor.u32 $0x1, v2  }
0xeb: {  	v4 =	vor.u32 $0x1, v1  }
0xec: {  	v5 =	vor.u32 $0x2, v2  }
0xed: {  	v7 =	vor.u32 $0x2, v1;
	v6 =	vld.idx.msk [tilespmem:v2+s11+$0x0], $0xffff  }
0xee: {  	v9 =	vor.u32 $0x3, v2;
	v8 =	vld.idx.msk [tilespmem:v1+s12+$0x0], $0xffff  }
0xef: {  	v10 =	vor.u32 $0x3, v1;
	v3 =	vld.idx.msk [tilespmem:v3+s11+$0x0], $0xffff  }
0xf0: {  	v11 =	vor.u32 $0x4, v2;
	v4 =	vld.idx.msk [tilespmem:v4+s12+$0x0], $0xffff  }
0xf1: {  	v12 =	vor.u32 $0x4, v1;
	v5 =	vld.idx.msk [tilespmem:v5+s11+$0x0], $0xffff  }
0xf2: {  	v13 =	vor.u32 $0x5, v2;
	v7 =	vld.idx.msk [tilespmem:v7+s12+$0x0], $0xffff  }
0xf3: {  	v14 =	vor.u32 $0x5, v1;
	v9 =	vld.idx.msk [tilespmem:v9+s11+$0x0], $0xffff;
	v6 =	vshll.u32 v6, $0x10;
	v8 =	vand.u32 $0xFFFF0000, v8  }
0xf4: {  	v15 =	vor.u32 $0x6, v2;
	v10 =	vld.idx.msk [tilespmem:v10+s12+$0x0], $0xffff;
	v6 =	vmul.f32 v8, v6  }
0xf5: {  	v44 =	vor.u32 $0x6, v1;
	v43 =	vld.idx.msk [tilespmem:v11+s11+$0x0], $0xffff;
	v3 =	vshll.u32 v3, $0x10;
	v4 =	vand.u32 $0xFFFF0000, v4  }
0xf6: {  	v16 =	vor.u32 $0x7, v2;
	v12 =	vld.idx.msk [tilespmem:v12+s12+$0x0], $0xffff;
	v3 =	vmul.f32 v4, v3;
	v6 =	vadd.f32 $0.0e+00, v6  }
0xf7: {  	v46 =	vor.u32 $0x7, v1;
	v45 =	vld.idx.msk [tilespmem:v13+s11+$0x0], $0xffff;
	v5 =	vshll.u32 v5, $0x10;
	v7 =	vand.u32 $0xFFFF0000, v7  }
0xf8: {  	v17 =	vor.u32 $0x8, v2;
	v14 =	vld.idx.msk [tilespmem:v14+s12+$0x0], $0xffff;
	v5 =	vmul.f32 v7, v5;
	v3 =	vadd.f32 v3, v6  }
0xf9: {  	v48 =	vor.u32 $0x8, v1;
	v47 =	vld.idx.msk [tilespmem:v15+s11+$0x0], $0xffff;
	v9 =	vshll.u32 v9, $0x10;
	v10 =	vand.u32 $0xFFFF0000, v10  }
0xfa: {  	v49 =	vor.u32 $0x9, v2;
	v11 =	vld.idx.msk [tilespmem:v44+s12+$0x0], $0xffff;
	v50 =	vmul.f32 v10, v9;
	v3 =	vadd.f32 v5, v3  }
0xfb: {  	v52 =	vor.u32 $0x9, v1;
	v51 =	vld.idx.msk [tilespmem:v16+s11+$0x0], $0xffff;
	v8 =	vshll.u32 v43, $0x10;
	v12 =	vand.u32 $0xFFFF0000, v12  }
0xfc: {  	v53 =	vor.u32 $0xA, v2;
	v13 =	vld.idx.msk [tilespmem:v46+s12+$0x0], $0xffff;
	v54 =	vmul.f32 v12, v8;
	v3 =	vadd.f32 v50, v3  }
0xfd: {  	v56 =	vor.u32 $0xA, v1;
	v55 =	vld.idx.msk [tilespmem:v17+s11+$0x0], $0xffff;
	v14 =	vand.u32 $0xFFFF0000, v14;
	v4 =	vshll.u32 v45, $0x10  }
0xfe: {  	v57 =	vor.u32 $0xB, v2;
	v7 =	vld.idx.msk [tilespmem:v48+s12+$0x0], $0xffff;
	v4 =	vmul.f32 v14, v4;
	v3 =	vadd.f32 v54, v3  }
0xff: {  	v59 =	vor.u32 $0xB, v1;
	v58 =	vld.idx.msk [tilespmem:v49+s11+$0x0], $0xffff;
	v11 =	vand.u32 $0xFFFF0000, v11;
	v6 =	vshll.u32 v47, $0x10  }
0x100: {  	v60 =	vor.u32 $0xC, v2;
	v10 =	vld.idx.msk [tilespmem:v52+s12+$0x0], $0xffff;
	v61 =	vmul.f32 v11, v6;
	v3 =	vadd.f32 v4, v3  }
0x101: {  	v63 =	vor.u32 $0xC, v1;
	v62 =	vld.idx.msk [tilespmem:v53+s11+$0x0], $0xffff;
	v13 =	vand.u32 $0xFFFF0000, v13;
	v9 =	vshll.u32 v51, $0x10  }
0x102: {  	v20 =	vor.u32 $0xD, v2;
	v12 =	vld.idx.msk [tilespmem:v56+s12+$0x0], $0xffff;
	v21 =	vmul.f32 v13, v9;
	v3 =	vadd.f32 v61, v3  }
0x103: {  	v23 =	vor.u32 $0xD, v1;
	v22 =	vld.idx.msk [tilespmem:v57+s11+$0x0], $0xffff;
	v8 =	vshll.u32 v55, $0x10;
	v7 =	vand.u32 $0xFFFF0000, v7  }
0x104: {  	v24 =	vor.u32 $0xE, v2;
	v14 =	vld.idx.msk [tilespmem:v59+s12+$0x0], $0xffff;
	v25 =	vmul.f32 v7, v8;
	v3 =	vadd.f32 v21, v3  }
0x105: {  	v27 =	vor.u32 $0xE, v1;
	v26 =	vld.idx.msk [tilespmem:v60+s11+$0x0], $0xffff;
	v5 =	vshll.u32 v58, $0x10;
	v10 =	vand.u32 $0xFFFF0000, v10  }
0x106: {  	v28 =	vor.u32 $0xF, v2;
	v11 =	vld.idx.msk [tilespmem:v63+s12+$0x0], $0xffff;
	v29 =	vmul.f32 v10, v5;
	v3 =	vadd.f32 v25, v3  }
0x107: {  	v31 =	vor.u32 $0xF, v1;
	v30 =	vld.idx.msk [tilespmem:v20+s11+$0x0], $0xffff;
	v6 =	vshll.u32 v62, $0x10;
	v12 =	vand.u32 $0xFFFF0000, v12  }
0x108: {  	v32 =	vor.u32 $0x10, v2;
	v13 =	vld.idx.msk [tilespmem:v23+s12+$0x0], $0xffff;
	v33 =	vmul.f32 v12, v6;
	v3 =	vadd.f32 v29, v3  }
0x109: {  	v35 =	vor.u32 $0x10, v1;
	v34 =	vld.idx.msk [tilespmem:v24+s11+$0x0], $0xffff;
	v9 =	vshll.u32 v22, $0x10;
	v14 =	vand.u32 $0xFFFF0000, v14  }
0x10a: {  	v36 =	vor.u32 $0x11, v2;
	v8 =	vld.idx.msk [tilespmem:v27+s12+$0x0], $0xffff;
	v37 =	vmul.f32 v14, v9;
	v3 =	vadd.f32 v33, v3  }
0x10b: {  	v39 =	vor.u32 $0x11, v1;
	v38 =	vld.idx.msk [tilespmem:v28+s11+$0x0], $0xffff;
	v7 =	vshll.u32 v26, $0x10;
	v11 =	vand.u32 $0xFFFF0000, v11  }
0x10c: {  	v40 =	vor.u32 $0x12, v2;
	v10 =	vld.idx.msk [tilespmem:v31+s12+$0x0], $0xffff;
	v41 =	vmul.f32 v11, v7;
	v3 =	vadd.f32 v37, v3  }
0x10d: {  	v42 =	vld.idx.msk [tilespmem:v32+s11+$0x0], $0xffff;
	v43 =	vor.u32 $0x12, v1;
	v5 =	vshll.u32 v30, $0x10;
	v13 =	vand.u32 $0xFFFF0000, v13  }
0x10e: {  	v47 =	vor.u32 $0x13, v1;
	v12 =	vld.idx.msk [tilespmem:v35+s12+$0x0], $0xffff;
	v45 =	vmul.f32 v13, v5;
	v3 =	vadd.f32 v41, v3  }
0x10f: {  	v44 =	vor.u32 $0x13, v2;
	v46 =	vld.idx.msk [tilespmem:v36+s11+$0x0], $0xffff;
	v6 =	vshll.u32 v34, $0x10;
	v8 =	vand.u32 $0xFFFF0000, v8  }
0x110: {  	v48 =	vor.u32 $0x14, v2;
	v14 =	vld.idx.msk [tilespmem:v39+s12+$0x0], $0xffff;
	v49 =	vmul.f32 v8, v6;
	v3 =	vadd.f32 v45, v3  }
0x111: {  	v51 =	vor.u32 $0x14, v1;
	v50 =	vld.idx.msk [tilespmem:v40+s11+$0x0], $0xffff;
	v9 =	vshll.u32 v38, $0x10;
	v10 =	vand.u32 $0xFFFF0000, v10  }
0x112: {  	v52 =	vor.u32 $0x15, v2;
	v11 =	vld.idx.msk [tilespmem:v43+s12+$0x0], $0xffff;
	v53 =	vmul.f32 v10, v9;
	v3 =	vadd.f32 v49, v3  }
0x113: {  	v55 =	vor.u32 $0x15, v1;
	v13 =	vld.idx.msk [tilespmem:v47+s12+$0x0], $0xffff;
	v7 =	vshll.u32 v42, $0x10;
	v12 =	vand.u32 $0xFFFF0000, v12  }
0x114: {  	v56 =	vor.u32 $0x16, v2;
	v54 =	vld.idx.msk [tilespmem:v44+s11+$0x0], $0xffff;
	v57 =	vmul.f32 v12, v7;
	v3 =	vadd.f32 v53, v3  }
0x115: {  	v59 =	vor.u32 $0x16, v1;
	v58 =	vld.idx.msk [tilespmem:v48+s11+$0x0], $0xffff;
	v5 =	vshll.u32 v46, $0x10;
	v14 =	vand.u32 $0xFFFF0000, v14  }
0x116: {  	v60 =	vor.u32 $0x17, v2;
	v8 =	vld.idx.msk [tilespmem:v51+s12+$0x0], $0xffff;
	v61 =	vmul.f32 v14, v5;
	v3 =	vadd.f32 v57, v3  }
0x117: {  	v63 =	vor.u32 $0x17, v1;
	v62 =	vld.idx.msk [tilespmem:v52+s11+$0x0], $0xffff;
	v6 =	vshll.u32 v50, $0x10;
	v11 =	vand.u32 $0xFFFF0000, v11  }
0x118: {  	v20 =	vor.u32 $0x18, v2;
	v10 =	vld.idx.msk [tilespmem:v55+s12+$0x0], $0xffff;
	v21 =	vmul.f32 v11, v6;
	v3 =	vadd.f32 v61, v3  }
0x119: {  	v23 =	vor.u32 $0x18, v1;
	v22 =	vld.idx.msk [tilespmem:v56+s11+$0x0], $0xffff;
	v13 =	vand.u32 $0xFFFF0000, v13;
	v9 =	vshll.u32 v54, $0x10  }
0x11a: {  	v24 =	vor.u32 $0x19, v2;
	v12 =	vld.idx.msk [tilespmem:v59+s12+$0x0], $0xffff;
	v25 =	vmul.f32 v13, v9;
	v3 =	vadd.f32 v21, v3  }
0x11b: {  	v26 =	vld.idx.msk [tilespmem:v60+s11+$0x0], $0xffff;
	v27 =	vor.u32 $0x19, v1;
	v7 =	vshll.u32 v58, $0x10;
	v8 =	vand.u32 $0xFFFF0000, v8  }
0x11c: {  	v28 =	vor.u32 $0x1A, v2;
	v14 =	vld.idx.msk [tilespmem:v63+s12+$0x0], $0xffff;
	v29 =	vmul.f32 v8, v7;
	v3 =	vadd.f32 v25, v3  }
0x11d: {  	v30 =	vld.idx.msk [tilespmem:v20+s11+$0x0], $0xffff;
	v31 =	vor.u32 $0x1A, v1;
	v5 =	vshll.u32 v62, $0x10;
	v10 =	vand.u32 $0xFFFF0000, v10  }
0x11e: {  	v32 =	vor.u32 $0x1B, v2;
	v11 =	vld.idx.msk [tilespmem:v23+s12+$0x0], $0xffff;
	v33 =	vmul.f32 v10, v5;
	v3 =	vadd.f32 v29, v3  }
0x11f: {  	v34 =	vld.idx.msk [tilespmem:v24+s11+$0x0], $0xffff;
	v35 =	vor.u32 $0x1B, v1;
	v6 =	vshll.u32 v22, $0x10;
	v12 =	vand.u32 $0xFFFF0000, v12  }
0x120: {  	v36 =	vor.u32 $0x1C, v2;
	v13 =	vld.idx.msk [tilespmem:v27+s12+$0x0], $0xffff;
	v37 =	vmul.f32 v12, v6;
	v3 =	vadd.f32 v33, v3  }
0x121: {  	v38 =	vld.idx.msk [tilespmem:v28+s11+$0x0], $0xffff;
	v39 =	vor.u32 $0x1C, v1;
	v9 =	vshll.u32 v26, $0x10;
	v14 =	vand.u32 $0xFFFF0000, v14  }
0x122: {  	v43 =	vor.u32 $0x1D, v1;
	v8 =	vld.idx.msk [tilespmem:v31+s12+$0x0], $0xffff;
	v41 =	vmul.f32 v14, v9;
	v3 =	vadd.f32 v37, v3  }
0x123: {  	v40 =	vor.u32 $0x1D, v2;
	v42 =	vld.idx.msk [tilespmem:v32+s11+$0x0], $0xffff;
	v7 =	vshll.u32 v30, $0x10;
	v11 =	vand.u32 $0xFFFF0000, v11  }
0x124: {  	v47 =	vor.u32 $0x1E, v1;
	v10 =	vld.idx.msk [tilespmem:v35+s12+$0x0], $0xffff;
	v45 =	vmul.f32 v11, v7;
	v3 =	vadd.f32 v41, v3  }
0x125: {  	v46 =	vld.idx.msk [tilespmem:v36+s11+$0x0], $0xffff;
	v44 =	vor.u32 $0x1E, v2;
	v5 =	vshll.u32 v34, $0x10;
	v13 =	vand.u32 $0xFFFF0000, v13  }
0x126: {  	v2 =	vor.u32 $0x1F, v2;
	v12 =	vld.idx.msk [tilespmem:v39+s12+$0x0], $0xffff;
	v48 =	vmul.f32 v13, v5;
	v3 =	vadd.f32 v45, v3  }
0x127: {  	v1 =	vor.u32 $0x1F, v1;
	v50 =	vld.idx.msk [tilespmem:v43+s12+$0x0], $0xffff;
	v6 =	vshll.u32 v38, $0x10;
	v8 =	vand.u32 $0xFFFF0000, v8  }
0x128: {  	v51 =	vmul.f32 v8, v6;
	v49 =	vld.idx.msk [tilespmem:v40+s11+$0x0], $0xffff;
	v3 =	vadd.f32 v48, v3  }
0x129: {  	v55 =	vld.idx.msk [tilespmem:v47+s12+$0x0], $0xffff;
	v54 =	vand.u32 $0xFFFF0000, v10;
	v53 =	vshll.u32 v42, $0x10  }
0x12a: {  	v52 =	vld.idx.msk [tilespmem:v44+s11+$0x0], $0xffff;
	v56 =	vmul.f32 v54, v53;
	v3 =	vadd.f32 v51, v3  }
0x12b: {  	v2 =	vld.idx.msk [tilespmem:v2+s11+$0x0], $0xffff;
	v7 =	vshll.u32 v46, $0x10;
	v57 =	vand.u32 $0xFFFF0000, v12  }
0x12c: {  	v1 =	vld.idx.msk [tilespmem:v1+s12+$0x0], $0xffff;
	v58 =	vmul.f32 v57, v7;
	v3 =	vadd.f32 v56, v3  }
0x12d: {  	v59 =	vand.u32 $0xFFFF0000, v50;
	v5 =	vshll.u32 v49, $0x10  }
0x12e: {  	v60 =	vmul.f32 v59, v5;
	v3 =	vadd.f32 v58, v3  }
0x12f: {  	v62 =	vand.u32 $0xFFFF0000, v55;
	v61 =	vshll.u32 v52, $0x10  }
0x130: {  	v63 =	vmul.f32 v62, v61;
	v3 =	vadd.f32 v60, v3  }
0x131: {  	v2 =	vshll.u32 v2, $0x10;
	v1 =	vand.u32 $0xFFFF0000, v1  }
.Ltmp2:
0x132: {  	v1 =	vmul.f32 v1, v2;
	v3 =	vadd.f32 v63, v3;
	(pc) =	sbr.rel @p0 .LBB2_4-.Ltmp2, $4  }
0x133: {  	_ = 	snop  }
0x134: {  	v1 =	vadd.f32 v1, v3  }
0x135: {  	s19 =	sadd.s32 $0x10, s19  }
0x136: {  	p1 =	por $0x0, $0x0;
	[tilespmem:s19+$0x0] =	vst v1;
	s19 =	simm.s32 $0x100  }
0x137: {  	s17 =	sadd.s32 $0x1, s17  }
0x138: {  	p0 =	sne.s32 s17, s7  }
.Ltmp3:
0x139: {  	_ = 	snop;
	(pc) =	sbr.rel @p0 .LBB2_1-.Ltmp3, $4  }
0x13a: {  	[hbm4b:s6+s2] =	stream.linear.scatter [tilespmem:s16], [sflag:$0x2], $0x200, $0x38;
	[tilespmem:$0x10A00] =	vst v63  }
0x13b: {  	_ =	swait.ge [sflag:s8], $0x200  }
0x13c: {  	[sflag:s8] =	ssyncset.done $0x0  }
0x13d: {  	[sflag:s8] =	ssyncadd.s32 $0xFFFFFE00  }
0x13e: {  	_ =	sfence.sel $0x180000  }
0x13f: {  	[bflag:$0x0] =	sbarrier.arrive $0xFFFF  }
0x140: {  	p0 =	sne.s32 s1, $0x0;
	_ =	strace $0x90000047  }
0x141: {  	s0 =	sadd.s32 @!p0 $0x100000, s0;
	[bflag:$0x2] =	sbarrier.arrive $0xFFFF  }
0x142: {  	[sflag:s0] =	ssyncadd.tile.s32 @!p0 $0x1;
	_ =	shalt  }
.Lfunc_end2:
_tile_overlayer_lowered:
.L_overlay_start_2:
0x143: {  	(tag) =	ssettag $0x2  }
0x144: {  	s0 =	rddreg [dreg:$0x0];
	s2 =	stileid.u32  }
0x145: {  	s1 =	rddreg [dreg:$0x1];
	p0 =	sne.s32 s2, $0x0  }
0x146: {  	s3 =	rddreg [dreg:$0x2];
	[bflag:$0x3] =	sbarrier.arrive $0xFFFF;
	s2 =	simm.s32 @!p0 $0x1C02  }
0x147: {  	[timem:s3], [sflag:s2] =	dma.local @!p0 [hbm:s0], s1  }
0x148: {  	s0 =	simm.s32 @!p0 $0x2  }
0x149: {  	_ =	swait.ge @!p0 [sflag:s0], s1  }
0x14a: {  	s1 =	ssub.s32 @!p0 $0x0, s1;
	[sflag:s0] =	ssyncset.done @!p0 $0x0  }
0x14b: {  	[sflag:s0] =	ssyncadd.s32 @!p0 s1  }
0x14c: {  	[bflag:$0x3] =	sbarrier.arrive $0xFFFF  }
0x14d: {  	_ =	shalt  }

</sc_bundles>
